<compile_context>
chip_gen: v7x
topology: tpu7x:2x2x1
jax: 0.10.2.dev20260603
libtpu: 0.0.44.dev20260713+nightly
codegen_flags: <defaults>
</compile_context>

<pallas_src>
import functools

import jax
import jax.numpy as jnp
from jax import lax
from jax.experimental import pallas as pl
from jax.experimental.pallas import tpu as pltpu
from jax.experimental.pallas import tpu_sc as plsc

BATCH = 128
FEAT = 128
ROWS = 1_000_000
CHUNK = 25000
INV_T = 10.0

_NW = 16
_BPW = BATCH // _NW
_NL = 16


def _tc_zbody(x_ref, mem_ref, z_ref):
    i = pl.program_id(0)

    @pl.when(i == 0)
    def _init():
        z_ref[...] = jnp.zeros_like(z_ref)

    logits = lax.dot_general(
        x_ref[...], mem_ref[...], (((1,), (1,)), ((), ())),
        preferred_element_type=jnp.float32,
    )
    e = jnp.exp(logits * INV_T)
    z_ref[...] += jnp.sum(e, axis=1, keepdims=True)


def _sc_gather_dot(memory, x, y32):
    mesh = plsc.VectorSubcoreMesh(
        core_axis_name="c", subcore_axis_name="s", num_cores=1)
    nc = 1

    @functools.partial(
        pl.kernel,
        mesh=mesh,
        out_type=jax.ShapeDtypeStruct((BATCH, _NL), jnp.float32),
        scratch_types=[
            pltpu.VMEM((_BPW,), jnp.int32),
            pltpu.VMEM((_BPW, FEAT), jnp.float32),
            pltpu.VMEM((_BPW, FEAT), jnp.float32),
            pltpu.VMEM((_BPW, _NL), jnp.float32),
            pltpu.SemaphoreType.DMA,
        ],
    )
    def gather_k(mem_hbm, x_hbm, idx_hbm, out_hbm, idx_v, rows_v, x_v, part_v, sem):
        wid = lax.axis_index("s") * nc + lax.axis_index("c")
        base = wid * _BPW
        pltpu.sync_copy(idx_hbm.at[pl.ds(base, _BPW)], idx_v)
        pltpu.sync_copy(x_hbm.at[pl.ds(base, _BPW)], x_v)
        pltpu.async_copy(mem_hbm.at[idx_v], rows_v, sem).wait()
        for r in range(_BPW):
            prods = [rows_v[r, pl.ds(k * _NL, _NL)] * x_v[r, pl.ds(k * _NL, _NL)]
                     for k in range(FEAT // _NL)]
            while len(prods) > 1:
                prods = [a + b for a, b in zip(prods[::2], prods[1::2])]
            part_v[r, :] = prods[0]
        pltpu.sync_copy(part_v, out_hbm.at[pl.ds(base, _BPW)])

    return gather_k(memory, x, y32)


def kernel(x, y, memory):
    y32 = y.astype(jnp.int32)
    z2d = pl.pallas_call(
        _tc_zbody,
        grid=(ROWS // CHUNK,),
        in_specs=[
            pl.BlockSpec((BATCH, FEAT), lambda i: (0, 0)),
            pl.BlockSpec((CHUNK, FEAT), lambda i: (i, 0)),
        ],
        out_specs=pl.BlockSpec((BATCH, 1), lambda i: (0, 0)),
        out_shape=jax.ShapeDtypeStruct((BATCH, 1), jnp.float32),
    )(x, memory)
    part = _sc_gather_dot(memory, x, y32)
    dot = jnp.sum(part, axis=1)
    return jnp.exp(dot * INV_T) / z2d[:, 0]

# --- scband reference (transcript-rebuilt; emitter-appended) ---
"""Pipeline reference for scband-nceaverage-13374528159993 (READ-ONLY COPY).

The authoritative reference and input builder live on the scoring server;
editing this copy changes nothing except your own understanding.
"""

import jax, jax.numpy as jnp
import numpy as np
import math

INPUT_SIZE = 128
OUTPUT_SIZE = 1000000
BATCH = 128
T = 0.1


def setup_inputs(seed: int = 0) -> dict:
    key = jax.random.key(seed)
    k1, k2, k3 = jax.random.split(key, 3)
    x = jax.random.normal(k1, (BATCH, INPUT_SIZE), dtype=jnp.float32)
    y = jax.random.randint(k2, (BATCH,), 0, OUTPUT_SIZE, dtype=jnp.int64)
    stdv = 1.0 / math.sqrt(INPUT_SIZE / 3)
    memory = jax.random.uniform(k3, (OUTPUT_SIZE, INPUT_SIZE), dtype=jnp.float32, minval=-stdv, maxval=stdv)
    return {"x": x, "y": y, "memory": memory}


def reference(x, y, memory):
    # Z[b] = sum_j exp(x[b] . memory[j] / T)  (the custom CUDA kernel's full-bank reduction)
    logits = jnp.dot(x, memory.T) / T
    Z = jnp.sum(jnp.exp(logits), axis=-1)
    # weight = memory[y]  (gather)
    weight = jnp.take(memory, y, axis=0)
    # out = exp((weight . x)/T) / Z
    dot = jnp.sum(weight * x, axis=-1)
    out = jnp.exp(dot / T) / Z
    return out

if __name__ == "__main__":
    import jax
    _d = setup_inputs()
    print(jax.jit(kernel)(*tuple(_d.values())))

</pallas_src>

<mosaic_0001>
#map = affine_map<(d0, d1) -> (0, 0)>
#map1 = affine_map<(d0, d1) -> (0)>
module attributes {stable_mosaic.version = 14 : i64} {
  func.func @gather_k(%arg0: i32, %arg1: i32, %arg2: memref<1000000x128xf32, #tpu.memory_space<hbm>>, %arg3: memref<128x128xf32, #tpu.memory_space<hbm>>, %arg4: memref<128xi32, #tpu.memory_space<hbm>>, %arg5: memref<128x16xf32, #tpu.memory_space<hbm>>, %arg6: memref<8xi32, #tpu.memory_space<vmem>>, %arg7: memref<8x128xf32, #tpu.memory_space<vmem>>, %arg8: memref<8x128xf32, #tpu.memory_space<vmem>>, %arg9: memref<8x16xf32, #tpu.memory_space<vmem>>, %arg10: memref<!tpu.dma_semaphore, #tpu.memory_space<semaphore_mem>>) attributes {dimension_semantics = [#tpu.dimension_semantics<core_parallel>, #tpu.dimension_semantics<subcore_parallel>], iteration_bounds = array<i64: 1, 16>, scalar_prefetch = 0 : i64, scratch_operands = 5 : i64, tpu.core_type = #tpu.core_type<sc_vector_subcore>, window_params = [{transform_indices = #map}, {transform_indices = #map}, {transform_indices = #map1}, {transform_indices = #map}]} {
    %mul3A = arith.constant 1 : i32
    %mul3A_0 = arith.muli %arg1, %mul3A : i32
    %add3A = arith.addi %mul3A_0, %arg0 : i32
    %mul3A_1 = arith.constant 8 : i32
    %mul3A_2 = arith.muli %add3A, %mul3A_1 : i32
    "tpu.region"() ({
      %run_scoped3A = tpu.sem_alloc : memref<!tpu.dma_semaphore, #tpu.memory_space<semaphore_mem>>
      %dma_start3A_813 = tpu.memref_slice %arg4[%mul3A_2] : memref<128xi32, #tpu.memory_space<hbm>> -> memref<8xi32, #tpu.memory_space<hbm>>
      %dma_start3A_814 = tpu.memref_slice %arg4[%mul3A_2] : memref<128xi32, #tpu.memory_space<hbm>> -> memref<8xi32, #tpu.memory_space<hbm>>
      tpu.enqueue_dma source(%dma_start3A_814 : memref<8xi32, #tpu.memory_space<hbm>>) target(%arg6 : memref<8xi32, #tpu.memory_space<vmem>>) target_semaphore(%run_scoped3A : memref<!tpu.dma_semaphore, #tpu.memory_space<semaphore_mem>>)
      %dma_wait3A_815 = tpu.memref_slice %arg4[%mul3A_2] : memref<128xi32, #tpu.memory_space<hbm>> -> memref<8xi32, #tpu.memory_space<hbm>>
      %dma_wait3A_816 = tpu.memref_slice %arg4[%mul3A_2] : memref<128xi32, #tpu.memory_space<hbm>> -> memref<8xi32, #tpu.memory_space<hbm>>
      tpu.wait_dma2 semaphore(%run_scoped3A : memref<!tpu.dma_semaphore, #tpu.memory_space<semaphore_mem>>) src(%dma_wait3A_816 : memref<8xi32, #tpu.memory_space<hbm>>) dst(%arg6 : memref<8xi32, #tpu.memory_space<vmem>>)
      tpu.yield
    }) : () -> ()
    "tpu.region"() ({
      %run_scoped3A = tpu.sem_alloc : memref<!tpu.dma_semaphore, #tpu.memory_space<semaphore_mem>>
      %dma_start3A_813 = arith.constant 0 : i32
      %dma_start3A_814 = tpu.memref_slice %arg3[%mul3A_2, %dma_start3A_813] : memref<128x128xf32, #tpu.memory_space<hbm>> -> memref<8x128xf32, #tpu.memory_space<hbm>>
      %dma_start3A_815 = arith.constant 0 : i32
      %dma_start3A_816 = tpu.memref_slice %arg3[%mul3A_2, %dma_start3A_815] : memref<128x128xf32, #tpu.memory_space<hbm>> -> memref<8x128xf32, #tpu.memory_space<hbm>>
      tpu.enqueue_dma source(%dma_start3A_816 : memref<8x128xf32, #tpu.memory_space<hbm>>) target(%arg8 : memref<8x128xf32, #tpu.memory_space<vmem>>) target_semaphore(%run_scoped3A : memref<!tpu.dma_semaphore, #tpu.memory_space<semaphore_mem>>)
      %dma_wait3A_817 = arith.constant 0 : i32
      %dma_wait3A_818 = tpu.memref_slice %arg3[%mul3A_2, %dma_wait3A_817] : memref<128x128xf32, #tpu.memory_space<hbm>> -> memref<8x128xf32, #tpu.memory_space<hbm>>
      %dma_wait3A_819 = arith.constant 0 : i32
      %dma_wait3A_820 = tpu.memref_slice %arg3[%mul3A_2, %dma_wait3A_819] : memref<128x128xf32, #tpu.memory_space<hbm>> -> memref<8x128xf32, #tpu.memory_space<hbm>>
      tpu.wait_dma2 semaphore(%run_scoped3A : memref<!tpu.dma_semaphore, #tpu.memory_space<semaphore_mem>>) src(%dma_wait3A_820 : memref<8x128xf32, #tpu.memory_space<hbm>>) dst(%arg8 : memref<8x128xf32, #tpu.memory_space<vmem>>)
      tpu.yield
    }) : () -> ()
    %dma_start3A = arith.constant 0 : i32
    %dma_start3A_3 = arith.constant 0 : i32
    %dma_start3A_4 = tpu.memref_slice %arg2[%dma_start3A, %dma_start3A_3] : memref<1000000x128xf32, #tpu.memory_space<hbm>> -> memref<1000000x128xf32, #tpu.memory_space<hbm>>
    tpu.enqueue_indirect_dma source(%dma_start3A_4 : memref<1000000x128xf32, #tpu.memory_space<hbm>>) target(%arg7 : memref<8x128xf32, #tpu.memory_space<vmem>>) offsets(%arg6 : memref<8xi32, #tpu.memory_space<vmem>>) semaphore(%arg10 : memref<!tpu.dma_semaphore, #tpu.memory_space<semaphore_mem>>)
    %dma_wait3A = arith.constant 0 : i32
    %dma_wait3A_5 = arith.constant 0 : i32
    %dma_wait3A_6 = tpu.memref_slice %arg2[%dma_wait3A, %dma_wait3A_5] : memref<1000000x128xf32, #tpu.memory_space<hbm>> -> memref<1000000x128xf32, #tpu.memory_space<hbm>>
    tpu.wait_indirect_dma semaphore(%arg10 : memref<!tpu.dma_semaphore, #tpu.memory_space<semaphore_mem>>) src(%dma_wait3A_6 : memref<1000000x128xf32, #tpu.memory_space<hbm>>) dst(%arg7 : memref<8x128xf32, #tpu.memory_space<vmem>>)
    %get3A = arith.constant 0 : i32
    %get3A_7 = arith.index_cast %get3A : i32 to index
    %get3A_8 = arith.constant 0 : index
    %get3A_9 = tpu.vector_load %arg7[%get3A_7, %get3A_8] {strides = array<i32>} : memref<8x128xf32, #tpu.memory_space<vmem>>, vector<1x16xf32>,
    %get3A_10 = vector.shape_cast %get3A_9 : vector<1x16xf32> to vector<16xf32>
    %get3A_11 = arith.constant 0 : i32
    %get3A_12 = arith.index_cast %get3A_11 : i32 to index
    %get3A_13 = arith.constant 0 : index
    %get3A_14 = tpu.vector_load %arg8[%get3A_12, %get3A_13] {strides = array<i32>} : memref<8x128xf32, #tpu.memory_space<vmem>>, vector<1x16xf32>,
    %get3A_15 = vector.shape_cast %get3A_14 : vector<1x16xf32> to vector<16xf32>
    %mul3A_16 = arith.mulf %get3A_10, %get3A_15 : vector<16xf32>
    %get3A_17 = arith.constant 0 : i32
    %get3A_18 = arith.index_cast %get3A_17 : i32 to index
    %get3A_19 = arith.constant 16 : index
    %get3A_20 = tpu.vector_load %arg7[%get3A_18, %get3A_19] {strides = array<i32>} : memref<8x128xf32, #tpu.memory_space<vmem>>, vector<1x16xf32>,
    %get3A_21 = vector.shape_cast %get3A_20 : vector<1x16xf32> to vector<16xf32>
    %get3A_22 = arith.constant 0 : i32
    %get3A_23 = arith.index_cast %get3A_22 : i32 to index
    %get3A_24 = arith.constant 16 : index
    %get3A_25 = tpu.vector_load %arg8[%get3A_23, %get3A_24] {strides = array<i32>} : memref<8x128xf32, #tpu.memory_space<vmem>>, vector<1x16xf32>,
    %get3A_26 = vector.shape_cast %get3A_25 : vector<1x16xf32> to vector<16xf32>
    %mul3A_27 = arith.mulf %get3A_21, %get3A_26 : vector<16xf32>
    %get3A_28 = arith.constant 0 : i32
    %get3A_29 = arith.index_cast %get3A_28 : i32 to index
    %get3A_30 = arith.constant 32 : index
    %get3A_31 = tpu.vector_load %arg7[%get3A_29, %get3A_30] {strides = array<i32>} : memref<8x128xf32, #tpu.memory_space<vmem>>, vector<1x16xf32>,
    %get3A_32 = vector.shape_cast %get3A_31 : vector<1x16xf32> to vector<16xf32>
    %get3A_33 = arith.constant 0 : i32
    %get3A_34 = arith.index_cast %get3A_33 : i32 to index
    %get3A_35 = arith.constant 32 : index
    %get3A_36 = tpu.vector_load %arg8[%get3A_34, %get3A_35] {strides = array<i32>} : memref<8x128xf32, #tpu.memory_space<vmem>>, vector<1x16xf32>,
    %get3A_37 = vector.shape_cast %get3A_36 : vector<1x16xf32> to vector<16xf32>
    %mul3A_38 = arith.mulf %get3A_32, %get3A_37 : vector<16xf32>
    %get3A_39 = arith.constant 0 : i32
    %get3A_40 = arith.index_cast %get3A_39 : i32 to index
    %get3A_41 = arith.constant 48 : index
    %get3A_42 = tpu.vector_load %arg7[%get3A_40, %get3A_41] {strides = array<i32>} : memref<8x128xf32, #tpu.memory_space<vmem>>, vector<1x16xf32>,
    %get3A_43 = vector.shape_cast %get3A_42 : vector<1x16xf32> to vector<16xf32>
    %get3A_44 = arith.constant 0 : i32
    %get3A_45 = arith.index_cast %get3A_44 : i32 to index
    %get3A_46 = arith.constant 48 : index
    %get3A_47 = tpu.vector_load %arg8[%get3A_45, %get3A_46] {strides = array<i32>} : memref<8x128xf32, #tpu.memory_space<vmem>>, vector<1x16xf32>,
    %get3A_48 = vector.shape_cast %get3A_47 : vector<1x16xf32> to vector<16xf32>
    %mul3A_49 = arith.mulf %get3A_43, %get3A_48 : vector<16xf32>
    %get3A_50 = arith.constant 0 : i32
    %get3A_51 = arith.index_cast %get3A_50 : i32 to index
    %get3A_52 = arith.constant 64 : index
    %get3A_53 = tpu.vector_load %arg7[%get3A_51, %get3A_52] {strides = array<i32>} : memref<8x128xf32, #tpu.memory_space<vmem>>, vector<1x16xf32>,
    %get3A_54 = vector.shape_cast %get3A_53 : vector<1x16xf32> to vector<16xf32>
    %get3A_55 = arith.constant 0 : i32
    %get3A_56 = arith.index_cast %get3A_55 : i32 to index
    %get3A_57 = arith.constant 64 : index
    %get3A_58 = tpu.vector_load %arg8[%get3A_56, %get3A_57] {strides = array<i32>} : memref<8x128xf32, #tpu.memory_space<vmem>>, vector<1x16xf32>,
    %get3A_59 = vector.shape_cast %get3A_58 : vector<1x16xf32> to vector<16xf32>
    %mul3A_60 = arith.mulf %get3A_54, %get3A_59 : vector<16xf32>
    %get3A_61 = arith.constant 0 : i32
    %get3A_62 = arith.index_cast %get3A_61 : i32 to index
    %get3A_63 = arith.constant 80 : index
    %get3A_64 = tpu.vector_load %arg7[%get3A_62, %get3A_63] {strides = array<i32>} : memref<8x128xf32, #tpu.memory_space<vmem>>, vector<1x16xf32>,
    %get3A_65 = vector.shape_cast %get3A_64 : vector<1x16xf32> to vector<16xf32>
    %get3A_66 = arith.constant 0 : i32
    %get3A_67 = arith.index_cast %get3A_66 : i32 to index
    %get3A_68 = arith.constant 80 : index
    %get3A_69 = tpu.vector_load %arg8[%get3A_67, %get3A_68] {strides = array<i32>} : memref<8x128xf32, #tpu.memory_space<vmem>>, vector<1x16xf32>,
    %get3A_70 = vector.shape_cast %get3A_69 : vector<1x16xf32> to vector<16xf32>
    %mul3A_71 = arith.mulf %get3A_65, %get3A_70 : vector<16xf32>
    %get3A_72 = arith.constant 0 : i32
    %get3A_73 = arith.index_cast %get3A_72 : i32 to index
    %get3A_74 = arith.constant 96 : index
    %get3A_75 = tpu.vector_load %arg7[%get3A_73, %get3A_74] {strides = array<i32>} : memref<8x128xf32, #tpu.memory_space<vmem>>, vector<1x16xf32>,
    %get3A_76 = vector.shape_cast %get3A_75 : vector<1x16xf32> to vector<16xf32>
    %get3A_77 = arith.constant 0 : i32
    %get3A_78 = arith.index_cast %get3A_77 : i32 to index
    %get3A_79 = arith.constant 96 : index
    %get3A_80 = tpu.vector_load %arg8[%get3A_78, %get3A_79] {strides = array<i32>} : memref<8x128xf32, #tpu.memory_space<vmem>>, vector<1x16xf32>,
    %get3A_81 = vector.shape_cast %get3A_80 : vector<1x16xf32> to vector<16xf32>
    %mul3A_82 = arith.mulf %get3A_76, %get3A_81 : vector<16xf32>
    %get3A_83 = arith.constant 0 : i32
    %get3A_84 = arith.index_cast %get3A_83 : i32 to index
    %get3A_85 = arith.constant 112 : index
    %get3A_86 = tpu.vector_load %arg7[%get3A_84, %get3A_85] {strides = array<i32>} : memref<8x128xf32, #tpu.memory_space<vmem>>, vector<1x16xf32>,
    %get3A_87 = vector.shape_cast %get3A_86 : vector<1x16xf32> to vector<16xf32>
    %get3A_88 = arith.constant 0 : i32
    %get3A_89 = arith.index_cast %get3A_88 : i32 to index
    %get3A_90 = arith.constant 112 : index
    %get3A_91 = tpu.vector_load %arg8[%get3A_89, %get3A_90] {strides = array<i32>} : memref<8x128xf32, #tpu.memory_space<vmem>>, vector<1x16xf32>,
    %get3A_92 = vector.shape_cast %get3A_91 : vector<1x16xf32> to vector<16xf32>
    %mul3A_93 = arith.mulf %get3A_87, %get3A_92 : vector<16xf32>
    %add3A_94 = arith.addf %mul3A_16, %mul3A_27 : vector<16xf32>
    %add3A_95 = arith.addf %mul3A_38, %mul3A_49 : vector<16xf32>
    %add3A_96 = arith.addf %mul3A_60, %mul3A_71 : vector<16xf32>
    %add3A_97 = arith.addf %mul3A_82, %mul3A_93 : vector<16xf32>
    %add3A_98 = arith.addf %add3A_94, %add3A_95 : vector<16xf32>
    %add3A_99 = arith.addf %add3A_96, %add3A_97 : vector<16xf32>
    %add3A_100 = arith.addf %add3A_98, %add3A_99 : vector<16xf32>
    %swap3A = arith.constant 0 : i32
    %swap3A_101 = arith.index_cast %swap3A : i32 to index
    %swap3A_102 = arith.constant 0 : index
    %swap3A_103 = tpu.vector_load %arg9[%swap3A_101, %swap3A_102] {strides = array<i32>} : memref<8x16xf32, #tpu.memory_space<vmem>>, vector<1x16xf32>,
    %swap3A_104 = vector.shape_cast %swap3A_103 : vector<1x16xf32> to vector<16xf32>
    %swap3A_105 = vector.shape_cast %add3A_100 : vector<16xf32> to vector<1x16xf32>
    tpu.vector_store %arg9[%swap3A_101, %swap3A_102], %swap3A_105 {strides = array<i32>} : memref<8x16xf32, #tpu.memory_space<vmem>>, vector<1x16xf32>,
    %get3A_106 = arith.constant 1 : i32
    %get3A_107 = arith.index_cast %get3A_106 : i32 to index
    %get3A_108 = arith.constant 0 : index
    %get3A_109 = tpu.vector_load %arg7[%get3A_107, %get3A_108] {strides = array<i32>} : memref<8x128xf32, #tpu.memory_space<vmem>>, vector<1x16xf32>,
    %get3A_110 = vector.shape_cast %get3A_109 : vector<1x16xf32> to vector<16xf32>
    %get3A_111 = arith.constant 1 : i32
    %get3A_112 = arith.index_cast %get3A_111 : i32 to index
    %get3A_113 = arith.constant 0 : index
    %get3A_114 = tpu.vector_load %arg8[%get3A_112, %get3A_113] {strides = array<i32>} : memref<8x128xf32, #tpu.memory_space<vmem>>, vector<1x16xf32>,
    %get3A_115 = vector.shape_cast %get3A_114 : vector<1x16xf32> to vector<16xf32>
    %mul3A_116 = arith.mulf %get3A_110, %get3A_115 : vector<16xf32>
    %get3A_117 = arith.constant 1 : i32
    %get3A_118 = arith.index_cast %get3A_117 : i32 to index
    %get3A_119 = arith.constant 16 : index
    %get3A_120 = tpu.vector_load %arg7[%get3A_118, %get3A_119] {strides = array<i32>} : memref<8x128xf32, #tpu.memory_space<vmem>>, vector<1x16xf32>,
    %get3A_121 = vector.shape_cast %get3A_120 : vector<1x16xf32> to vector<16xf32>
    %get3A_122 = arith.constant 1 : i32
    %get3A_123 = arith.index_cast %get3A_122 : i32 to index
    %get3A_124 = arith.constant 16 : index
    %get3A_125 = tpu.vector_load %arg8[%get3A_123, %get3A_124] {strides = array<i32>} : memref<8x128xf32, #tpu.memory_space<vmem>>, vector<1x16xf32>,
    %get3A_126 = vector.shape_cast %get3A_125 : vector<1x16xf32> to vector<16xf32>
    %mul3A_127 = arith.mulf %get3A_121, %get3A_126 : vector<16xf32>
    %get3A_128 = arith.constant 1 : i32
    %get3A_129 = arith.index_cast %get3A_128 : i32 to index
    %get3A_130 = arith.constant 32 : index
    %get3A_131 = tpu.vector_load %arg7[%get3A_129, %get3A_130] {strides = array<i32>} : memref<8x128xf32, #tpu.memory_space<vmem>>, vector<1x16xf32>,
    %get3A_132 = vector.shape_cast %get3A_131 : vector<1x16xf32> to vector<16xf32>
    %get3A_133 = arith.constant 1 : i32
    %get3A_134 = arith.index_cast %get3A_133 : i32 to index
    %get3A_135 = arith.constant 32 : index
    %get3A_136 = tpu.vector_load %arg8[%get3A_134, %get3A_135] {strides = array<i32>} : memref<8x128xf32, #tpu.memory_space<vmem>>, vector<1x16xf32>,
    %get3A_137 = vector.shape_cast %get3A_136 : vector<1x16xf32> to vector<16xf32>
    %mul3A_138 = arith.mulf %get3A_132, %get3A_137 : vector<16xf32>
    %get3A_139 = arith.constant 1 : i32
    %get3A_140 = arith.index_cast %get3A_139 : i32 to index
    %get3A_141 = arith.constant 48 : index
    %get3A_142 = tpu.vector_load %arg7[%get3A_140, %get3A_141] {strides = array<i32>} : memref<8x128xf32, #tpu.memory_space<vmem>>, vector<1x16xf32>,
    %get3A_143 = vector.shape_cast %get3A_142 : vector<1x16xf32> to vector<16xf32>
    %get3A_144 = arith.constant 1 : i32
    %get3A_145 = arith.index_cast %get3A_144 : i32 to index
    %get3A_146 = arith.constant 48 : index
    %get3A_147 = tpu.vector_load %arg8[%get3A_145, %get3A_146] {strides = array<i32>} : memref<8x128xf32, #tpu.memory_space<vmem>>, vector<1x16xf32>,
    %get3A_148 = vector.shape_cast %get3A_147 : vector<1x16xf32> to vector<16xf32>
    %mul3A_149 = arith.mulf %get3A_143, %get3A_148 : vector<16xf32>
    %get3A_150 = arith.constant 1 : i32
    %get3A_151 = arith.index_cast %get3A_150 : i32 to index
    %get3A_152 = arith.constant 64 : index
    %get3A_153 = tpu.vector_load %arg7[%get3A_151, %get3A_152] {strides = array<i32>} : memref<8x128xf32, #tpu.memory_space<vmem>>, vector<1x16xf32>,
    %get3A_154 = vector.shape_cast %get3A_153 : vector<1x16xf32> to vector<16xf32>
    %get3A_155 = arith.constant 1 : i32
    %get3A_156 = arith.index_cast %get3A_155 : i32 to index
    %get3A_157 = arith.constant 64 : index
    %get3A_158 = tpu.vector_load %arg8[%get3A_156, %get3A_157] {strides = array<i32>} : memref<8x128xf32, #tpu.memory_space<vmem>>, vector<1x16xf32>,
    %get3A_159 = vector.shape_cast %get3A_158 : vector<1x16xf32> to vector<16xf32>
    %mul3A_160 = arith.mulf %get3A_154, %get3A_159 : vector<16xf32>
    %get3A_161 = arith.constant 1 : i32
    %get3A_162 = arith.index_cast %get3A_161 : i32 to index
    %get3A_163 = arith.constant 80 : index
    %get3A_164 = tpu.vector_load %arg7[%get3A_162, %get3A_163] {strides = array<i32>} : memref<8x128xf32, #tpu.memory_space<vmem>>, vector<1x16xf32>,
    %get3A_165 = vector.shape_cast %get3A_164 : vector<1x16xf32> to vector<16xf32>
    %get3A_166 = arith.constant 1 : i32
    %get3A_167 = arith.index_cast %get3A_166 : i32 to index
    %get3A_168 = arith.constant 80 : index
    %get3A_169 = tpu.vector_load %arg8[%get3A_167, %get3A_168] {strides = array<i32>} : memref<8x128xf32, #tpu.memory_space<vmem>>, vector<1x16xf32>,
    %get3A_170 = vector.shape_cast %get3A_169 : vector<1x16xf32> to vector<16xf32>
    %mul3A_171 = arith.mulf %get3A_165, %get3A_170 : vector<16xf32>
    %get3A_172 = arith.constant 1 : i32
    %get3A_173 = arith.index_cast %get3A_172 : i32 to index
    %get3A_174 = arith.constant 96 : index
    %get3A_175 = tpu.vector_load %arg7[%get3A_173, %get3A_174] {strides = array<i32>} : memref<8x128xf32, #tpu.memory_space<vmem>>, vector<1x16xf32>,
    %get3A_176 = vector.shape_cast %get3A_175 : vector<1x16xf32> to vector<16xf32>
    %get3A_177 = arith.constant 1 : i32
    %get3A_178 = arith.index_cast %get3A_177 : i32 to index
    %get3A_179 = arith.constant 96 : index
    %get3A_180 = tpu.vector_load %arg8[%get3A_178, %get3A_179] {strides = array<i32>} : memref<8x128xf32, #tpu.memory_space<vmem>>, vector<1x16xf32>,
    %get3A_181 = vector.shape_cast %get3A_180 : vector<1x16xf32> to vector<16xf32>
    %mul3A_182 = arith.mulf %get3A_176, %get3A_181 : vector<16xf32>
    %get3A_183 = arith.constant 1 : i32
    %get3A_184 = arith.index_cast %get3A_183 : i32 to index
    %get3A_185 = arith.constant 112 : index
    %get3A_186 = tpu.vector_load %arg7[%get3A_184, %get3A_185] {strides = array<i32>} : memref<8x128xf32, #tpu.memory_space<vmem>>, vector<1x16xf32>,
    %get3A_187 = vector.shape_cast %get3A_186 : vector<1x16xf32> to vector<16xf32>
    %get3A_188 = arith.constant 1 : i32
    %get3A_189 = arith.index_cast %get3A_188 : i32 to index
    %get3A_190 = arith.constant 112 : index
    %get3A_191 = tpu.vector_load %arg8[%get3A_189, %get3A_190] {strides = array<i32>} : memref<8x128xf32, #tpu.memory_space<vmem>>, vector<1x16xf32>,
    %get3A_192 = vector.shape_cast %get3A_191 : vector<1x16xf32> to vector<16xf32>
    %mul3A_193 = arith.mulf %get3A_187, %get3A_192 : vector<16xf32>
    %add3A_194 = arith.addf %mul3A_116, %mul3A_127 : vector<16xf32>
    %add3A_195 = arith.addf %mul3A_138, %mul3A_149 : vector<16xf32>
    %add3A_196 = arith.addf %mul3A_160, %mul3A_171 : vector<16xf32>
    %add3A_197 = arith.addf %mul3A_182, %mul3A_193 : vector<16xf32>
    %add3A_198 = arith.addf %add3A_194, %add3A_195 : vector<16xf32>
    %add3A_199 = arith.addf %add3A_196, %add3A_197 : vector<16xf32>
    %add3A_200 = arith.addf %add3A_198, %add3A_199 : vector<16xf32>
    %swap3A_201 = arith.constant 1 : i32
    %swap3A_202 = arith.index_cast %swap3A_201 : i32 to index
    %swap3A_203 = arith.constant 0 : index
    %swap3A_204 = tpu.vector_load %arg9[%swap3A_202, %swap3A_203] {strides = array<i32>} : memref<8x16xf32, #tpu.memory_space<vmem>>, vector<1x16xf32>,
    %swap3A_205 = vector.shape_cast %swap3A_204 : vector<1x16xf32> to vector<16xf32>
    %swap3A_206 = vector.shape_cast %add3A_200 : vector<16xf32> to vector<1x16xf32>
    tpu.vector_store %arg9[%swap3A_202, %swap3A_203], %swap3A_206 {strides = array<i32>} : memref<8x16xf32, #tpu.memory_space<vmem>>, vector<1x16xf32>,
    %get3A_207 = arith.constant 2 : i32
    %get3A_208 = arith.index_cast %get3A_207 : i32 to index
    %get3A_209 = arith.constant 0 : index
    %get3A_210 = tpu.vector_load %arg7[%get3A_208, %get3A_209] {strides = array<i32>} : memref<8x128xf32, #tpu.memory_space<vmem>>, vector<1x16xf32>,
    %get3A_211 = vector.shape_cast %get3A_210 : vector<1x16xf32> to vector<16xf32>
    %get3A_212 = arith.constant 2 : i32
    %get3A_213 = arith.index_cast %get3A_212 : i32 to index
    %get3A_214 = arith.constant 0 : index
    %get3A_215 = tpu.vector_load %arg8[%get3A_213, %get3A_214] {strides = array<i32>} : memref<8x128xf32, #tpu.memory_space<vmem>>, vector<1x16xf32>,
    %get3A_216 = vector.shape_cast %get3A_215 : vector<1x16xf32> to vector<16xf32>
    %mul3A_217 = arith.mulf %get3A_211, %get3A_216 : vector<16xf32>
    %get3A_218 = arith.constant 2 : i32
    %get3A_219 = arith.index_cast %get3A_218 : i32 to index
    %get3A_220 = arith.constant 16 : index
    %get3A_221 = tpu.vector_load %arg7[%get3A_219, %get3A_220] {strides = array<i32>} : memref<8x128xf32, #tpu.memory_space<vmem>>, vector<1x16xf32>,
    %get3A_222 = vector.shape_cast %get3A_221 : vector<1x16xf32> to vector<16xf32>
    %get3A_223 = arith.constant 2 : i32
    %get3A_224 = arith.index_cast %get3A_223 : i32 to index
    %get3A_225 = arith.constant 16 : index
    %get3A_226 = tpu.vector_load %arg8[%get3A_224, %get3A_225] {strides = array<i32>} : memref<8x128xf32, #tpu.memory_space<vmem>>, vector<1x16xf32>,
    %get3A_227 = vector.shape_cast %get3A_226 : vector<1x16xf32> to vector<16xf32>
    %mul3A_228 = arith.mulf %get3A_222, %get3A_227 : vector<16xf32>
    %get3A_229 = arith.constant 2 : i32
    %get3A_230 = arith.index_cast %get3A_229 : i32 to index
    %get3A_231 = arith.constant 32 : index
    %get3A_232 = tpu.vector_load %arg7[%get3A_230, %get3A_231] {strides = array<i32>} : memref<8x128xf32, #tpu.memory_space<vmem>>, vector<1x16xf32>,
    %get3A_233 = vector.shape_cast %get3A_232 : vector<1x16xf32> to vector<16xf32>
    %get3A_234 = arith.constant 2 : i32
    %get3A_235 = arith.index_cast %get3A_234 : i32 to index
    %get3A_236 = arith.constant 32 : index
    %get3A_237 = tpu.vector_load %arg8[%get3A_235, %get3A_236] {strides = array<i32>} : memref<8x128xf32, #tpu.memory_space<vmem>>, vector<1x16xf32>,
    %get3A_238 = vector.shape_cast %get3A_237 : vector<1x16xf32> to vector<16xf32>
    %mul3A_239 = arith.mulf %get3A_233, %get3A_238 : vector<16xf32>
    %get3A_240 = arith.constant 2 : i32
    %get3A_241 = arith.index_cast %get3A_240 : i32 to index
    %get3A_242 = arith.constant 48 : index
    %get3A_243 = tpu.vector_load %arg7[%get3A_241, %get3A_242] {strides = array<i32>} : memref<8x128xf32, #tpu.memory_space<vmem>>, vector<1x16xf32>,
    %get3A_244 = vector.shape_cast %get3A_243 : vector<1x16xf32> to vector<16xf32>
    %get3A_245 = arith.constant 2 : i32
    %get3A_246 = arith.index_cast %get3A_245 : i32 to index
    %get3A_247 = arith.constant 48 : index
    %get3A_248 = tpu.vector_load %arg8[%get3A_246, %get3A_247] {strides = array<i32>} : memref<8x128xf32, #tpu.memory_space<vmem>>, vector<1x16xf32>,
    %get3A_249 = vector.shape_cast %get3A_248 : vector<1x16xf32> to vector<16xf32>
    %mul3A_250 = arith.mulf %get3A_244, %get3A_249 : vector<16xf32>
    %get3A_251 = arith.constant 2 : i32
    %get3A_252 = arith.index_cast %get3A_251 : i32 to index
    %get3A_253 = arith.constant 64 : index
    %get3A_254 = tpu.vector_load %arg7[%get3A_252, %get3A_253] {strides = array<i32>} : memref<8x128xf32, #tpu.memory_space<vmem>>, vector<1x16xf32>,
    %get3A_255 = vector.shape_cast %get3A_254 : vector<1x16xf32> to vector<16xf32>
    %get3A_256 = arith.constant 2 : i32
    %get3A_257 = arith.index_cast %get3A_256 : i32 to index
    %get3A_258 = arith.constant 64 : index
    %get3A_259 = tpu.vector_load %arg8[%get3A_257, %get3A_258] {strides = array<i32>} : memref<8x128xf32, #tpu.memory_space<vmem>>, vector<1x16xf32>,
    %get3A_260 = vector.shape_cast %get3A_259 : vector<1x16xf32> to vector<16xf32>
    %mul3A_261 = arith.mulf %get3A_255, %get3A_260 : vector<16xf32>
    %get3A_262 = arith.constant 2 : i32
    %get3A_263 = arith.index_cast %get3A_262 : i32 to index
    %get3A_264 = arith.constant 80 : index
    %get3A_265 = tpu.vector_load %arg7[%get3A_263, %get3A_264] {strides = array<i32>} : memref<8x128xf32, #tpu.memory_space<vmem>>, vector<1x16xf32>,
    %get3A_266 = vector.shape_cast %get3A_265 : vector<1x16xf32> to vector<16xf32>
    %get3A_267 = arith.constant 2 : i32
    %get3A_268 = arith.index_cast %get3A_267 : i32 to index
    %get3A_269 = arith.constant 80 : index
    %get3A_270 = tpu.vector_load %arg8[%get3A_268, %get3A_269] {strides = array<i32>} : memref<8x128xf32, #tpu.memory_space<vmem>>, vector<1x16xf32>,
    %get3A_271 = vector.shape_cast %get3A_270 : vector<1x16xf32> to vector<16xf32>
    %mul3A_272 = arith.mulf %get3A_266, %get3A_271 : vector<16xf32>
    %get3A_273 = arith.constant 2 : i32
    %get3A_274 = arith.index_cast %get3A_273 : i32 to index
    %get3A_275 = arith.constant 96 : index
    %get3A_276 = tpu.vector_load %arg7[%get3A_274, %get3A_275] {strides = array<i32>} : memref<8x128xf32, #tpu.memory_space<vmem>>, vector<1x16xf32>,
    %get3A_277 = vector.shape_cast %get3A_276 : vector<1x16xf32> to vector<16xf32>
    %get3A_278 = arith.constant 2 : i32
    %get3A_279 = arith.index_cast %get3A_278 : i32 to index
    %get3A_280 = arith.constant 96 : index
    %get3A_281 = tpu.vector_load %arg8[%get3A_279, %get3A_280] {strides = array<i32>} : memref<8x128xf32, #tpu.memory_space<vmem>>, vector<1x16xf32>,
    %get3A_282 = vector.shape_cast %get3A_281 : vector<1x16xf32> to vector<16xf32>
    %mul3A_283 = arith.mulf %get3A_277, %get3A_282 : vector<16xf32>
    %get3A_284 = arith.constant 2 : i32
    %get3A_285 = arith.index_cast %get3A_284 : i32 to index
    %get3A_286 = arith.constant 112 : index
    %get3A_287 = tpu.vector_load %arg7[%get3A_285, %get3A_286] {strides = array<i32>} : memref<8x128xf32, #tpu.memory_space<vmem>>, vector<1x16xf32>,
    %get3A_288 = vector.shape_cast %get3A_287 : vector<1x16xf32> to vector<16xf32>
    %get3A_289 = arith.constant 2 : i32
    %get3A_290 = arith.index_cast %get3A_289 : i32 to index
    %get3A_291 = arith.constant 112 : index
    %get3A_292 = tpu.vector_load %arg8[%get3A_290, %get3A_291] {strides = array<i32>} : memref<8x128xf32, #tpu.memory_space<vmem>>, vector<1x16xf32>,
    %get3A_293 = vector.shape_cast %get3A_292 : vector<1x16xf32> to vector<16xf32>
    %mul3A_294 = arith.mulf %get3A_288, %get3A_293 : vector<16xf32>
    %add3A_295 = arith.addf %mul3A_217, %mul3A_228 : vector<16xf32>
    %add3A_296 = arith.addf %mul3A_239, %mul3A_250 : vector<16xf32>
    %add3A_297 = arith.addf %mul3A_261, %mul3A_272 : vector<16xf32>
    %add3A_298 = arith.addf %mul3A_283, %mul3A_294 : vector<16xf32>
    %add3A_299 = arith.addf %add3A_295, %add3A_296 : vector<16xf32>
    %add3A_300 = arith.addf %add3A_297, %add3A_298 : vector<16xf32>
    %add3A_301 = arith.addf %add3A_299, %add3A_300 : vector<16xf32>
    %swap3A_302 = arith.constant 2 : i32
    %swap3A_303 = arith.index_cast %swap3A_302 : i32 to index
    %swap3A_304 = arith.constant 0 : index
    %swap3A_305 = tpu.vector_load %arg9[%swap3A_303, %swap3A_304] {strides = array<i32>} : memref<8x16xf32, #tpu.memory_space<vmem>>, vector<1x16xf32>,
    %swap3A_306 = vector.shape_cast %swap3A_305 : vector<1x16xf32> to vector<16xf32>
    %swap3A_307 = vector.shape_cast %add3A_301 : vector<16xf32> to vector<1x16xf32>
    tpu.vector_store %arg9[%swap3A_303, %swap3A_304], %swap3A_307 {strides = array<i32>} : memref<8x16xf32, #tpu.memory_space<vmem>>, vector<1x16xf32>,
    %get3A_308 = arith.constant 3 : i32
    %get3A_309 = arith.index_cast %get3A_308 : i32 to index
    %get3A_310 = arith.constant 0 : index
    %get3A_311 = tpu.vector_load %arg7[%get3A_309, %get3A_310] {strides = array<i32>} : memref<8x128xf32, #tpu.memory_space<vmem>>, vector<1x16xf32>,
    %get3A_312 = vector.shape_cast %get3A_311 : vector<1x16xf32> to vector<16xf32>
    %get3A_313 = arith.constant 3 : i32
    %get3A_314 = arith.index_cast %get3A_313 : i32 to index
    %get3A_315 = arith.constant 0 : index
    %get3A_316 = tpu.vector_load %arg8[%get3A_314, %get3A_315] {strides = array<i32>} : memref<8x128xf32, #tpu.memory_space<vmem>>, vector<1x16xf32>,
    %get3A_317 = vector.shape_cast %get3A_316 : vector<1x16xf32> to vector<16xf32>
    %mul3A_318 = arith.mulf %get3A_312, %get3A_317 : vector<16xf32>
    %get3A_319 = arith.constant 3 : i32
    %get3A_320 = arith.index_cast %get3A_319 : i32 to index
    %get3A_321 = arith.constant 16 : index
    %get3A_322 = tpu.vector_load %arg7[%get3A_320, %get3A_321] {strides = array<i32>} : memref<8x128xf32, #tpu.memory_space<vmem>>, vector<1x16xf32>,
    %get3A_323 = vector.shape_cast %get3A_322 : vector<1x16xf32> to vector<16xf32>
    %get3A_324 = arith.constant 3 : i32
    %get3A_325 = arith.index_cast %get3A_324 : i32 to index
    %get3A_326 = arith.constant 16 : index
    %get3A_327 = tpu.vector_load %arg8[%get3A_325, %get3A_326] {strides = array<i32>} : memref<8x128xf32, #tpu.memory_space<vmem>>, vector<1x16xf32>,
    %get3A_328 = vector.shape_cast %get3A_327 : vector<1x16xf32> to vector<16xf32>
    %mul3A_329 = arith.mulf %get3A_323, %get3A_328 : vector<16xf32>
    %get3A_330 = arith.constant 3 : i32
    %get3A_331 = arith.index_cast %get3A_330 : i32 to index
    %get3A_332 = arith.constant 32 : index
    %get3A_333 = tpu.vector_load %arg7[%get3A_331, %get3A_332] {strides = array<i32>} : memref<8x128xf32, #tpu.memory_space<vmem>>, vector<1x16xf32>,
    %get3A_334 = vector.shape_cast %get3A_333 : vector<1x16xf32> to vector<16xf32>
    %get3A_335 = arith.constant 3 : i32
    %get3A_336 = arith.index_cast %get3A_335 : i32 to index
    %get3A_337 = arith.constant 32 : index
    %get3A_338 = tpu.vector_load %arg8[%get3A_336, %get3A_337] {strides = array<i32>} : memref<8x128xf32, #tpu.memory_space<vmem>>, vector<1x16xf32>,
    %get3A_339 = vector.shape_cast %get3A_338 : vector<1x16xf32> to vector<16xf32>
    %mul3A_340 = arith.mulf %get3A_334, %get3A_339 : vector<16xf32>
    %get3A_341 = arith.constant 3 : i32
    %get3A_342 = arith.index_cast %get3A_341 : i32 to index
    %get3A_343 = arith.constant 48 : index
    %get3A_344 = tpu.vector_load %arg7[%get3A_342, %get3A_343] {strides = array<i32>} : memref<8x128xf32, #tpu.memory_space<vmem>>, vector<1x16xf32>,
    %get3A_345 = vector.shape_cast %get3A_344 : vector<1x16xf32> to vector<16xf32>
    %get3A_346 = arith.constant 3 : i32
    %get3A_347 = arith.index_cast %get3A_346 : i32 to index
    %get3A_348 = arith.constant 48 : index
    %get3A_349 = tpu.vector_load %arg8[%get3A_347, %get3A_348] {strides = array<i32>} : memref<8x128xf32, #tpu.memory_space<vmem>>, vector<1x16xf32>,
    %get3A_350 = vector.shape_cast %get3A_349 : vector<1x16xf32> to vector<16xf32>
    %mul3A_351 = arith.mulf %get3A_345, %get3A_350 : vector<16xf32>
    %get3A_352 = arith.constant 3 : i32
    %get3A_353 = arith.index_cast %get3A_352 : i32 to index
    %get3A_354 = arith.constant 64 : index
    %get3A_355 = tpu.vector_load %arg7[%get3A_353, %get3A_354] {strides = array<i32>} : memref<8x128xf32, #tpu.memory_space<vmem>>, vector<1x16xf32>,
    %get3A_356 = vector.shape_cast %get3A_355 : vector<1x16xf32> to vector<16xf32>
    %get3A_357 = arith.constant 3 : i32
    %get3A_358 = arith.index_cast %get3A_357 : i32 to index
    %get3A_359 = arith.constant 64 : index
    %get3A_360 = tpu.vector_load %arg8[%get3A_358, %get3A_359] {strides = array<i32>} : memref<8x128xf32, #tpu.memory_space<vmem>>, vector<1x16xf32>,
    %get3A_361 = vector.shape_cast %get3A_360 : vector<1x16xf32> to vector<16xf32>
    %mul3A_362 = arith.mulf %get3A_356, %get3A_361 : vector<16xf32>
    %get3A_363 = arith.constant 3 : i32
    %get3A_364 = arith.index_cast %get3A_363 : i32 to index
    %get3A_365 = arith.constant 80 : index
    %get3A_366 = tpu.vector_load %arg7[%get3A_364, %get3A_365] {strides = array<i32>} : memref<8x128xf32, #tpu.memory_space<vmem>>, vector<1x16xf32>,
    %get3A_367 = vector.shape_cast %get3A_366 : vector<1x16xf32> to vector<16xf32>
    %get3A_368 = arith.constant 3 : i32
    %get3A_369 = arith.index_cast %get3A_368 : i32 to index
    %get3A_370 = arith.constant 80 : index
    %get3A_371 = tpu.vector_load %arg8[%get3A_369, %get3A_370] {strides = array<i32>} : memref<8x128xf32, #tpu.memory_space<vmem>>, vector<1x16xf32>,
    %get3A_372 = vector.shape_cast %get3A_371 : vector<1x16xf32> to vector<16xf32>
    %mul3A_373 = arith.mulf %get3A_367, %get3A_372 : vector<16xf32>
    %get3A_374 = arith.constant 3 : i32
    %get3A_375 = arith.index_cast %get3A_374 : i32 to index
    %get3A_376 = arith.constant 96 : index
    %get3A_377 = tpu.vector_load %arg7[%get3A_375, %get3A_376] {strides = array<i32>} : memref<8x128xf32, #tpu.memory_space<vmem>>, vector<1x16xf32>,
    %get3A_378 = vector.shape_cast %get3A_377 : vector<1x16xf32> to vector<16xf32>
    %get3A_379 = arith.constant 3 : i32
    %get3A_380 = arith.index_cast %get3A_379 : i32 to index
    %get3A_381 = arith.constant 96 : index
    %get3A_382 = tpu.vector_load %arg8[%get3A_380, %get3A_381] {strides = array<i32>} : memref<8x128xf32, #tpu.memory_space<vmem>>, vector<1x16xf32>,
    %get3A_383 = vector.shape_cast %get3A_382 : vector<1x16xf32> to vector<16xf32>
    %mul3A_384 = arith.mulf %get3A_378, %get3A_383 : vector<16xf32>
    %get3A_385 = arith.constant 3 : i32
    %get3A_386 = arith.index_cast %get3A_385 : i32 to index
    %get3A_387 = arith.constant 112 : index
    %get3A_388 = tpu.vector_load %arg7[%get3A_386, %get3A_387] {strides = array<i32>} : memref<8x128xf32, #tpu.memory_space<vmem>>, vector<1x16xf32>,
    %get3A_389 = vector.shape_cast %get3A_388 : vector<1x16xf32> to vector<16xf32>
    %get3A_390 = arith.constant 3 : i32
    %get3A_391 = arith.index_cast %get3A_390 : i32 to index
    %get3A_392 = arith.constant 112 : index
    %get3A_393 = tpu.vector_load %arg8[%get3A_391, %get3A_392] {strides = array<i32>} : memref<8x128xf32, #tpu.memory_space<vmem>>, vector<1x16xf32>,
    %get3A_394 = vector.shape_cast %get3A_393 : vector<1x16xf32> to vector<16xf32>
    %mul3A_395 = arith.mulf %get3A_389, %get3A_394 : vector<16xf32>
    %add3A_396 = arith.addf %mul3A_318, %mul3A_329 : vector<16xf32>
    %add3A_397 = arith.addf %mul3A_340, %mul3A_351 : vector<16xf32>
    %add3A_398 = arith.addf %mul3A_362, %mul3A_373 : vector<16xf32>
    %add3A_399 = arith.addf %mul3A_384, %mul3A_395 : vector<16xf32>
    %add3A_400 = arith.addf %add3A_396, %add3A_397 : vector<16xf32>
    %add3A_401 = arith.addf %add3A_398, %add3A_399 : vector<16xf32>
    %add3A_402 = arith.addf %add3A_400, %add3A_401 : vector<16xf32>
    %swap3A_403 = arith.constant 3 : i32
    %swap3A_404 = arith.index_cast %swap3A_403 : i32 to index
    %swap3A_405 = arith.constant 0 : index
    %swap3A_406 = tpu.vector_load %arg9[%swap3A_404, %swap3A_405] {strides = array<i32>} : memref<8x16xf32, #tpu.memory_space<vmem>>, vector<1x16xf32>,
    %swap3A_407 = vector.shape_cast %swap3A_406 : vector<1x16xf32> to vector<16xf32>
    %swap3A_408 = vector.shape_cast %add3A_402 : vector<16xf32> to vector<1x16xf32>
    tpu.vector_store %arg9[%swap3A_404, %swap3A_405], %swap3A_408 {strides = array<i32>} : memref<8x16xf32, #tpu.memory_space<vmem>>, vector<1x16xf32>,
    %get3A_409 = arith.constant 4 : i32
    %get3A_410 = arith.index_cast %get3A_409 : i32 to index
    %get3A_411 = arith.constant 0 : index
    %get3A_412 = tpu.vector_load %arg7[%get3A_410, %get3A_411] {strides = array<i32>} : memref<8x128xf32, #tpu.memory_space<vmem>>, vector<1x16xf32>,
    %get3A_413 = vector.shape_cast %get3A_412 : vector<1x16xf32> to vector<16xf32>
    %get3A_414 = arith.constant 4 : i32
    %get3A_415 = arith.index_cast %get3A_414 : i32 to index
    %get3A_416 = arith.constant 0 : index
    %get3A_417 = tpu.vector_load %arg8[%get3A_415, %get3A_416] {strides = array<i32>} : memref<8x128xf32, #tpu.memory_space<vmem>>, vector<1x16xf32>,
    %get3A_418 = vector.shape_cast %get3A_417 : vector<1x16xf32> to vector<16xf32>
    %mul3A_419 = arith.mulf %get3A_413, %get3A_418 : vector<16xf32>
    %get3A_420 = arith.constant 4 : i32
    %get3A_421 = arith.index_cast %get3A_420 : i32 to index
    %get3A_422 = arith.constant 16 : index
    %get3A_423 = tpu.vector_load %arg7[%get3A_421, %get3A_422] {strides = array<i32>} : memref<8x128xf32, #tpu.memory_space<vmem>>, vector<1x16xf32>,
    %get3A_424 = vector.shape_cast %get3A_423 : vector<1x16xf32> to vector<16xf32>
    %get3A_425 = arith.constant 4 : i32
    %get3A_426 = arith.index_cast %get3A_425 : i32 to index
    %get3A_427 = arith.constant 16 : index
    %get3A_428 = tpu.vector_load %arg8[%get3A_426, %get3A_427] {strides = array<i32>} : memref<8x128xf32, #tpu.memory_space<vmem>>, vector<1x16xf32>,
    %get3A_429 = vector.shape_cast %get3A_428 : vector<1x16xf32> to vector<16xf32>
    %mul3A_430 = arith.mulf %get3A_424, %get3A_429 : vector<16xf32>
    %get3A_431 = arith.constant 4 : i32
    %get3A_432 = arith.index_cast %get3A_431 : i32 to index
    %get3A_433 = arith.constant 32 : index
    %get3A_434 = tpu.vector_load %arg7[%get3A_432, %get3A_433] {strides = array<i32>} : memref<8x128xf32, #tpu.memory_space<vmem>>, vector<1x16xf32>,
    %get3A_435 = vector.shape_cast %get3A_434 : vector<1x16xf32> to vector<16xf32>
    %get3A_436 = arith.constant 4 : i32
    %get3A_437 = arith.index_cast %get3A_436 : i32 to index
    %get3A_438 = arith.constant 32 : index
    %get3A_439 = tpu.vector_load %arg8[%get3A_437, %get3A_438] {strides = array<i32>} : memref<8x128xf32, #tpu.memory_space<vmem>>, vector<1x16xf32>,
    %get3A_440 = vector.shape_cast %get3A_439 : vector<1x16xf32> to vector<16xf32>
    %mul3A_441 = arith.mulf %get3A_435, %get3A_440 : vector<16xf32>
    %get3A_442 = arith.constant 4 : i32
    %get3A_443 = arith.index_cast %get3A_442 : i32 to index
    %get3A_444 = arith.constant 48 : index
    %get3A_445 = tpu.vector_load %arg7[%get3A_443, %get3A_444] {strides = array<i32>} : memref<8x128xf32, #tpu.memory_space<vmem>>, vector<1x16xf32>,
    %get3A_446 = vector.shape_cast %get3A_445 : vector<1x16xf32> to vector<16xf32>
    %get3A_447 = arith.constant 4 : i32
    %get3A_448 = arith.index_cast %get3A_447 : i32 to index
    %get3A_449 = arith.constant 48 : index
    %get3A_450 = tpu.vector_load %arg8[%get3A_448, %get3A_449] {strides = array<i32>} : memref<8x128xf32, #tpu.memory_space<vmem>>, vector<1x16xf32>,
    %get3A_451 = vector.shape_cast %get3A_450 : vector<1x16xf32> to vector<16xf32>
    %mul3A_452 = arith.mulf %get3A_446, %get3A_451 : vector<16xf32>
    %get3A_453 = arith.constant 4 : i32
    %get3A_454 = arith.index_cast %get3A_453 : i32 to index
    %get3A_455 = arith.constant 64 : index
    %get3A_456 = tpu.vector_load %arg7[%get3A_454, %get3A_455] {strides = array<i32>} : memref<8x128xf32, #tpu.memory_space<vmem>>, vector<1x16xf32>,
    %get3A_457 = vector.shape_cast %get3A_456 : vector<1x16xf32> to vector<16xf32>
    %get3A_458 = arith.constant 4 : i32
    %get3A_459 = arith.index_cast %get3A_458 : i32 to index
    %get3A_460 = arith.constant 64 : index
    %get3A_461 = tpu.vector_load %arg8[%get3A_459, %get3A_460] {strides = array<i32>} : memref<8x128xf32, #tpu.memory_space<vmem>>, vector<1x16xf32>,
    %get3A_462 = vector.shape_cast %get3A_461 : vector<1x16xf32> to vector<16xf32>
    %mul3A_463 = arith.mulf %get3A_457, %get3A_462 : vector<16xf32>
    %get3A_464 = arith.constant 4 : i32
    %get3A_465 = arith.index_cast %get3A_464 : i32 to index
    %get3A_466 = arith.constant 80 : index
    %get3A_467 = tpu.vector_load %arg7[%get3A_465, %get3A_466] {strides = array<i32>} : memref<8x128xf32, #tpu.memory_space<vmem>>, vector<1x16xf32>,
    %get3A_468 = vector.shape_cast %get3A_467 : vector<1x16xf32> to vector<16xf32>
    %get3A_469 = arith.constant 4 : i32
    %get3A_470 = arith.index_cast %get3A_469 : i32 to index
    %get3A_471 = arith.constant 80 : index
    %get3A_472 = tpu.vector_load %arg8[%get3A_470, %get3A_471] {strides = array<i32>} : memref<8x128xf32, #tpu.memory_space<vmem>>, vector<1x16xf32>,
    %get3A_473 = vector.shape_cast %get3A_472 : vector<1x16xf32> to vector<16xf32>
    %mul3A_474 = arith.mulf %get3A_468, %get3A_473 : vector<16xf32>
    %get3A_475 = arith.constant 4 : i32
    %get3A_476 = arith.index_cast %get3A_475 : i32 to index
    %get3A_477 = arith.constant 96 : index
    %get3A_478 = tpu.vector_load %arg7[%get3A_476, %get3A_477] {strides = array<i32>} : memref<8x128xf32, #tpu.memory_space<vmem>>, vector<1x16xf32>,
    %get3A_479 = vector.shape_cast %get3A_478 : vector<1x16xf32> to vector<16xf32>
    %get3A_480 = arith.constant 4 : i32
    %get3A_481 = arith.index_cast %get3A_480 : i32 to index
    %get3A_482 = arith.constant 96 : index
    %get3A_483 = tpu.vector_load %arg8[%get3A_481, %get3A_482] {strides = array<i32>} : memref<8x128xf32, #tpu.memory_space<vmem>>, vector<1x16xf32>,
    %get3A_484 = vector.shape_cast %get3A_483 : vector<1x16xf32> to vector<16xf32>
    %mul3A_485 = arith.mulf %get3A_479, %get3A_484 : vector<16xf32>
    %get3A_486 = arith.constant 4 : i32
    %get3A_487 = arith.index_cast %get3A_486 : i32 to index
    %get3A_488 = arith.constant 112 : index
    %get3A_489 = tpu.vector_load %arg7[%get3A_487, %get3A_488] {strides = array<i32>} : memref<8x128xf32, #tpu.memory_space<vmem>>, vector<1x16xf32>,
    %get3A_490 = vector.shape_cast %get3A_489 : vector<1x16xf32> to vector<16xf32>
    %get3A_491 = arith.constant 4 : i32
    %get3A_492 = arith.index_cast %get3A_491 : i32 to index
    %get3A_493 = arith.constant 112 : index
    %get3A_494 = tpu.vector_load %arg8[%get3A_492, %get3A_493] {strides = array<i32>} : memref<8x128xf32, #tpu.memory_space<vmem>>, vector<1x16xf32>,
    %get3A_495 = vector.shape_cast %get3A_494 : vector<1x16xf32> to vector<16xf32>
    %mul3A_496 = arith.mulf %get3A_490, %get3A_495 : vector<16xf32>
    %add3A_497 = arith.addf %mul3A_419, %mul3A_430 : vector<16xf32>
    %add3A_498 = arith.addf %mul3A_441, %mul3A_452 : vector<16xf32>
    %add3A_499 = arith.addf %mul3A_463, %mul3A_474 : vector<16xf32>
    %add3A_500 = arith.addf %mul3A_485, %mul3A_496 : vector<16xf32>
    %add3A_501 = arith.addf %add3A_497, %add3A_498 : vector<16xf32>
    %add3A_502 = arith.addf %add3A_499, %add3A_500 : vector<16xf32>
    %add3A_503 = arith.addf %add3A_501, %add3A_502 : vector<16xf32>
    %swap3A_504 = arith.constant 4 : i32
    %swap3A_505 = arith.index_cast %swap3A_504 : i32 to index
    %swap3A_506 = arith.constant 0 : index
    %swap3A_507 = tpu.vector_load %arg9[%swap3A_505, %swap3A_506] {strides = array<i32>} : memref<8x16xf32, #tpu.memory_space<vmem>>, vector<1x16xf32>,
    %swap3A_508 = vector.shape_cast %swap3A_507 : vector<1x16xf32> to vector<16xf32>
    %swap3A_509 = vector.shape_cast %add3A_503 : vector<16xf32> to vector<1x16xf32>
    tpu.vector_store %arg9[%swap3A_505, %swap3A_506], %swap3A_509 {strides = array<i32>} : memref<8x16xf32, #tpu.memory_space<vmem>>, vector<1x16xf32>,
    %get3A_510 = arith.constant 5 : i32
    %get3A_511 = arith.index_cast %get3A_510 : i32 to index
    %get3A_512 = arith.constant 0 : index
    %get3A_513 = tpu.vector_load %arg7[%get3A_511, %get3A_512] {strides = array<i32>} : memref<8x128xf32, #tpu.memory_space<vmem>>, vector<1x16xf32>,
    %get3A_514 = vector.shape_cast %get3A_513 : vector<1x16xf32> to vector<16xf32>
    %get3A_515 = arith.constant 5 : i32
    %get3A_516 = arith.index_cast %get3A_515 : i32 to index
    %get3A_517 = arith.constant 0 : index
    %get3A_518 = tpu.vector_load %arg8[%get3A_516, %get3A_517] {strides = array<i32>} : memref<8x128xf32, #tpu.memory_space<vmem>>, vector<1x16xf32>,
    %get3A_519 = vector.shape_cast %get3A_518 : vector<1x16xf32> to vector<16xf32>
    %mul3A_520 = arith.mulf %get3A_514, %get3A_519 : vector<16xf32>
    %get3A_521 = arith.constant 5 : i32
    %get3A_522 = arith.index_cast %get3A_521 : i32 to index
    %get3A_523 = arith.constant 16 : index
    %get3A_524 = tpu.vector_load %arg7[%get3A_522, %get3A_523] {strides = array<i32>} : memref<8x128xf32, #tpu.memory_space<vmem>>, vector<1x16xf32>,
    %get3A_525 = vector.shape_cast %get3A_524 : vector<1x16xf32> to vector<16xf32>
    %get3A_526 = arith.constant 5 : i32
    %get3A_527 = arith.index_cast %get3A_526 : i32 to index
    %get3A_528 = arith.constant 16 : index
    %get3A_529 = tpu.vector_load %arg8[%get3A_527, %get3A_528] {strides = array<i32>} : memref<8x128xf32, #tpu.memory_space<vmem>>, vector<1x16xf32>,
    %get3A_530 = vector.shape_cast %get3A_529 : vector<1x16xf32> to vector<16xf32>
    %mul3A_531 = arith.mulf %get3A_525, %get3A_530 : vector<16xf32>
    %get3A_532 = arith.constant 5 : i32
    %get3A_533 = arith.index_cast %get3A_532 : i32 to index
    %get3A_534 = arith.constant 32 : index
    %get3A_535 = tpu.vector_load %arg7[%get3A_533, %get3A_534] {strides = array<i32>} : memref<8x128xf32, #tpu.memory_space<vmem>>, vector<1x16xf32>,
    %get3A_536 = vector.shape_cast %get3A_535 : vector<1x16xf32> to vector<16xf32>
    %get3A_537 = arith.constant 5 : i32
    %get3A_538 = arith.index_cast %get3A_537 : i32 to index
    %get3A_539 = arith.constant 32 : index
    %get3A_540 = tpu.vector_load %arg8[%get3A_538, %get3A_539] {strides = array<i32>} : memref<8x128xf32, #tpu.memory_space<vmem>>, vector<1x16xf32>,
    %get3A_541 = vector.shape_cast %get3A_540 : vector<1x16xf32> to vector<16xf32>
    %mul3A_542 = arith.mulf %get3A_536, %get3A_541 : vector<16xf32>
    %get3A_543 = arith.constant 5 : i32
    %get3A_544 = arith.index_cast %get3A_543 : i32 to index
    %get3A_545 = arith.constant 48 : index
    %get3A_546 = tpu.vector_load %arg7[%get3A_544, %get3A_545] {strides = array<i32>} : memref<8x128xf32, #tpu.memory_space<vmem>>, vector<1x16xf32>,
    %get3A_547 = vector.shape_cast %get3A_546 : vector<1x16xf32> to vector<16xf32>
    %get3A_548 = arith.constant 5 : i32
    %get3A_549 = arith.index_cast %get3A_548 : i32 to index
    %get3A_550 = arith.constant 48 : index
    %get3A_551 = tpu.vector_load %arg8[%get3A_549, %get3A_550] {strides = array<i32>} : memref<8x128xf32, #tpu.memory_space<vmem>>, vector<1x16xf32>,
    %get3A_552 = vector.shape_cast %get3A_551 : vector<1x16xf32> to vector<16xf32>
    %mul3A_553 = arith.mulf %get3A_547, %get3A_552 : vector<16xf32>
    %get3A_554 = arith.constant 5 : i32
    %get3A_555 = arith.index_cast %get3A_554 : i32 to index
    %get3A_556 = arith.constant 64 : index
    %get3A_557 = tpu.vector_load %arg7[%get3A_555, %get3A_556] {strides = array<i32>} : memref<8x128xf32, #tpu.memory_space<vmem>>, vector<1x16xf32>,
    %get3A_558 = vector.shape_cast %get3A_557 : vector<1x16xf32> to vector<16xf32>
    %get3A_559 = arith.constant 5 : i32
    %get3A_560 = arith.index_cast %get3A_559 : i32 to index
    %get3A_561 = arith.constant 64 : index
    %get3A_562 = tpu.vector_load %arg8[%get3A_560, %get3A_561] {strides = array<i32>} : memref<8x128xf32, #tpu.memory_space<vmem>>, vector<1x16xf32>,
    %get3A_563 = vector.shape_cast %get3A_562 : vector<1x16xf32> to vector<16xf32>
    %mul3A_564 = arith.mulf %get3A_558, %get3A_563 : vector<16xf32>
    %get3A_565 = arith.constant 5 : i32
    %get3A_566 = arith.index_cast %get3A_565 : i32 to index
    %get3A_567 = arith.constant 80 : index
    %get3A_568 = tpu.vector_load %arg7[%get3A_566, %get3A_567] {strides = array<i32>} : memref<8x128xf32, #tpu.memory_space<vmem>>, vector<1x16xf32>,
    %get3A_569 = vector.shape_cast %get3A_568 : vector<1x16xf32> to vector<16xf32>
    %get3A_570 = arith.constant 5 : i32
    %get3A_571 = arith.index_cast %get3A_570 : i32 to index
    %get3A_572 = arith.constant 80 : index
    %get3A_573 = tpu.vector_load %arg8[%get3A_571, %get3A_572] {strides = array<i32>} : memref<8x128xf32, #tpu.memory_space<vmem>>, vector<1x16xf32>,
    %get3A_574 = vector.shape_cast %get3A_573 : vector<1x16xf32> to vector<16xf32>
    %mul3A_575 = arith.mulf %get3A_569, %get3A_574 : vector<16xf32>
    %get3A_576 = arith.constant 5 : i32
    %get3A_577 = arith.index_cast %get3A_576 : i32 to index
    %get3A_578 = arith.constant 96 : index
    %get3A_579 = tpu.vector_load %arg7[%get3A_577, %get3A_578] {strides = array<i32>} : memref<8x128xf32, #tpu.memory_space<vmem>>, vector<1x16xf32>,
    %get3A_580 = vector.shape_cast %get3A_579 : vector<1x16xf32> to vector<16xf32>
    %get3A_581 = arith.constant 5 : i32
    %get3A_582 = arith.index_cast %get3A_581 : i32 to index
    %get3A_583 = arith.constant 96 : index
    %get3A_584 = tpu.vector_load %arg8[%get3A_582, %get3A_583] {strides = array<i32>} : memref<8x128xf32, #tpu.memory_space<vmem>>, vector<1x16xf32>,
    %get3A_585 = vector.shape_cast %get3A_584 : vector<1x16xf32> to vector<16xf32>
    %mul3A_586 = arith.mulf %get3A_580, %get3A_585 : vector<16xf32>
    %get3A_587 = arith.constant 5 : i32
    %get3A_588 = arith.index_cast %get3A_587 : i32 to index
    %get3A_589 = arith.constant 112 : index
    %get3A_590 = tpu.vector_load %arg7[%get3A_588, %get3A_589] {strides = array<i32>} : memref<8x128xf32, #tpu.memory_space<vmem>>, vector<1x16xf32>,
    %get3A_591 = vector.shape_cast %get3A_590 : vector<1x16xf32> to vector<16xf32>
    %get3A_592 = arith.constant 5 : i32
    %get3A_593 = arith.index_cast %get3A_592 : i32 to index
    %get3A_594 = arith.constant 112 : index
    %get3A_595 = tpu.vector_load %arg8[%get3A_593, %get3A_594] {strides = array<i32>} : memref<8x128xf32, #tpu.memory_space<vmem>>, vector<1x16xf32>,
    %get3A_596 = vector.shape_cast %get3A_595 : vector<1x16xf32> to vector<16xf32>
    %mul3A_597 = arith.mulf %get3A_591, %get3A_596 : vector<16xf32>
    %add3A_598 = arith.addf %mul3A_520, %mul3A_531 : vector<16xf32>
    %add3A_599 = arith.addf %mul3A_542, %mul3A_553 : vector<16xf32>
    %add3A_600 = arith.addf %mul3A_564, %mul3A_575 : vector<16xf32>
    %add3A_601 = arith.addf %mul3A_586, %mul3A_597 : vector<16xf32>
    %add3A_602 = arith.addf %add3A_598, %add3A_599 : vector<16xf32>
    %add3A_603 = arith.addf %add3A_600, %add3A_601 : vector<16xf32>
    %add3A_604 = arith.addf %add3A_602, %add3A_603 : vector<16xf32>
    %swap3A_605 = arith.constant 5 : i32
    %swap3A_606 = arith.index_cast %swap3A_605 : i32 to index
    %swap3A_607 = arith.constant 0 : index
    %swap3A_608 = tpu.vector_load %arg9[%swap3A_606, %swap3A_607] {strides = array<i32>} : memref<8x16xf32, #tpu.memory_space<vmem>>, vector<1x16xf32>,
    %swap3A_609 = vector.shape_cast %swap3A_608 : vector<1x16xf32> to vector<16xf32>
    %swap3A_610 = vector.shape_cast %add3A_604 : vector<16xf32> to vector<1x16xf32>
    tpu.vector_store %arg9[%swap3A_606, %swap3A_607], %swap3A_610 {strides = array<i32>} : memref<8x16xf32, #tpu.memory_space<vmem>>, vector<1x16xf32>,
    %get3A_611 = arith.constant 6 : i32
    %get3A_612 = arith.index_cast %get3A_611 : i32 to index
    %get3A_613 = arith.constant 0 : index
    %get3A_614 = tpu.vector_load %arg7[%get3A_612, %get3A_613] {strides = array<i32>} : memref<8x128xf32, #tpu.memory_space<vmem>>, vector<1x16xf32>,
    %get3A_615 = vector.shape_cast %get3A_614 : vector<1x16xf32> to vector<16xf32>
    %get3A_616 = arith.constant 6 : i32
    %get3A_617 = arith.index_cast %get3A_616 : i32 to index
    %get3A_618 = arith.constant 0 : index
    %get3A_619 = tpu.vector_load %arg8[%get3A_617, %get3A_618] {strides = array<i32>} : memref<8x128xf32, #tpu.memory_space<vmem>>, vector<1x16xf32>,
    %get3A_620 = vector.shape_cast %get3A_619 : vector<1x16xf32> to vector<16xf32>
    %mul3A_621 = arith.mulf %get3A_615, %get3A_620 : vector<16xf32>
    %get3A_622 = arith.constant 6 : i32
    %get3A_623 = arith.index_cast %get3A_622 : i32 to index
    %get3A_624 = arith.constant 16 : index
    %get3A_625 = tpu.vector_load %arg7[%get3A_623, %get3A_624] {strides = array<i32>} : memref<8x128xf32, #tpu.memory_space<vmem>>, vector<1x16xf32>,
    %get3A_626 = vector.shape_cast %get3A_625 : vector<1x16xf32> to vector<16xf32>
    %get3A_627 = arith.constant 6 : i32
    %get3A_628 = arith.index_cast %get3A_627 : i32 to index
    %get3A_629 = arith.constant 16 : index
    %get3A_630 = tpu.vector_load %arg8[%get3A_628, %get3A_629] {strides = array<i32>} : memref<8x128xf32, #tpu.memory_space<vmem>>, vector<1x16xf32>,
    %get3A_631 = vector.shape_cast %get3A_630 : vector<1x16xf32> to vector<16xf32>
    %mul3A_632 = arith.mulf %get3A_626, %get3A_631 : vector<16xf32>
    %get3A_633 = arith.constant 6 : i32
    %get3A_634 = arith.index_cast %get3A_633 : i32 to index
    %get3A_635 = arith.constant 32 : index
    %get3A_636 = tpu.vector_load %arg7[%get3A_634, %get3A_635] {strides = array<i32>} : memref<8x128xf32, #tpu.memory_space<vmem>>, vector<1x16xf32>,
    %get3A_637 = vector.shape_cast %get3A_636 : vector<1x16xf32> to vector<16xf32>
    %get3A_638 = arith.constant 6 : i32
    %get3A_639 = arith.index_cast %get3A_638 : i32 to index
    %get3A_640 = arith.constant 32 : index
    %get3A_641 = tpu.vector_load %arg8[%get3A_639, %get3A_640] {strides = array<i32>} : memref<8x128xf32, #tpu.memory_space<vmem>>, vector<1x16xf32>,
    %get3A_642 = vector.shape_cast %get3A_641 : vector<1x16xf32> to vector<16xf32>
    %mul3A_643 = arith.mulf %get3A_637, %get3A_642 : vector<16xf32>
    %get3A_644 = arith.constant 6 : i32
    %get3A_645 = arith.index_cast %get3A_644 : i32 to index
    %get3A_646 = arith.constant 48 : index
    %get3A_647 = tpu.vector_load %arg7[%get3A_645, %get3A_646] {strides = array<i32>} : memref<8x128xf32, #tpu.memory_space<vmem>>, vector<1x16xf32>,
    %get3A_648 = vector.shape_cast %get3A_647 : vector<1x16xf32> to vector<16xf32>
    %get3A_649 = arith.constant 6 : i32
    %get3A_650 = arith.index_cast %get3A_649 : i32 to index
    %get3A_651 = arith.constant 48 : index
    %get3A_652 = tpu.vector_load %arg8[%get3A_650, %get3A_651] {strides = array<i32>} : memref<8x128xf32, #tpu.memory_space<vmem>>, vector<1x16xf32>,
    %get3A_653 = vector.shape_cast %get3A_652 : vector<1x16xf32> to vector<16xf32>
    %mul3A_654 = arith.mulf %get3A_648, %get3A_653 : vector<16xf32>
    %get3A_655 = arith.constant 6 : i32
    %get3A_656 = arith.index_cast %get3A_655 : i32 to index
    %get3A_657 = arith.constant 64 : index
    %get3A_658 = tpu.vector_load %arg7[%get3A_656, %get3A_657] {strides = array<i32>} : memref<8x128xf32, #tpu.memory_space<vmem>>, vector<1x16xf32>,
    %get3A_659 = vector.shape_cast %get3A_658 : vector<1x16xf32> to vector<16xf32>
    %get3A_660 = arith.constant 6 : i32
    %get3A_661 = arith.index_cast %get3A_660 : i32 to index
    %get3A_662 = arith.constant 64 : index
    %get3A_663 = tpu.vector_load %arg8[%get3A_661, %get3A_662] {strides = array<i32>} : memref<8x128xf32, #tpu.memory_space<vmem>>, vector<1x16xf32>,
    %get3A_664 = vector.shape_cast %get3A_663 : vector<1x16xf32> to vector<16xf32>
    %mul3A_665 = arith.mulf %get3A_659, %get3A_664 : vector<16xf32>
    %get3A_666 = arith.constant 6 : i32
    %get3A_667 = arith.index_cast %get3A_666 : i32 to index
    %get3A_668 = arith.constant 80 : index
    %get3A_669 = tpu.vector_load %arg7[%get3A_667, %get3A_668] {strides = array<i32>} : memref<8x128xf32, #tpu.memory_space<vmem>>, vector<1x16xf32>,
    %get3A_670 = vector.shape_cast %get3A_669 : vector<1x16xf32> to vector<16xf32>
    %get3A_671 = arith.constant 6 : i32
    %get3A_672 = arith.index_cast %get3A_671 : i32 to index
    %get3A_673 = arith.constant 80 : index
    %get3A_674 = tpu.vector_load %arg8[%get3A_672, %get3A_673] {strides = array<i32>} : memref<8x128xf32, #tpu.memory_space<vmem>>, vector<1x16xf32>,
    %get3A_675 = vector.shape_cast %get3A_674 : vector<1x16xf32> to vector<16xf32>
    %mul3A_676 = arith.mulf %get3A_670, %get3A_675 : vector<16xf32>
    %get3A_677 = arith.constant 6 : i32
    %get3A_678 = arith.index_cast %get3A_677 : i32 to index
    %get3A_679 = arith.constant 96 : index
    %get3A_680 = tpu.vector_load %arg7[%get3A_678, %get3A_679] {strides = array<i32>} : memref<8x128xf32, #tpu.memory_space<vmem>>, vector<1x16xf32>,
    %get3A_681 = vector.shape_cast %get3A_680 : vector<1x16xf32> to vector<16xf32>
    %get3A_682 = arith.constant 6 : i32
    %get3A_683 = arith.index_cast %get3A_682 : i32 to index
    %get3A_684 = arith.constant 96 : index
    %get3A_685 = tpu.vector_load %arg8[%get3A_683, %get3A_684] {strides = array<i32>} : memref<8x128xf32, #tpu.memory_space<vmem>>, vector<1x16xf32>,
    %get3A_686 = vector.shape_cast %get3A_685 : vector<1x16xf32> to vector<16xf32>
    %mul3A_687 = arith.mulf %get3A_681, %get3A_686 : vector<16xf32>
    %get3A_688 = arith.constant 6 : i32
    %get3A_689 = arith.index_cast %get3A_688 : i32 to index
    %get3A_690 = arith.constant 112 : index
    %get3A_691 = tpu.vector_load %arg7[%get3A_689, %get3A_690] {strides = array<i32>} : memref<8x128xf32, #tpu.memory_space<vmem>>, vector<1x16xf32>,
    %get3A_692 = vector.shape_cast %get3A_691 : vector<1x16xf32> to vector<16xf32>
    %get3A_693 = arith.constant 6 : i32
    %get3A_694 = arith.index_cast %get3A_693 : i32 to index
    %get3A_695 = arith.constant 112 : index
    %get3A_696 = tpu.vector_load %arg8[%get3A_694, %get3A_695] {strides = array<i32>} : memref<8x128xf32, #tpu.memory_space<vmem>>, vector<1x16xf32>,
    %get3A_697 = vector.shape_cast %get3A_696 : vector<1x16xf32> to vector<16xf32>
    %mul3A_698 = arith.mulf %get3A_692, %get3A_697 : vector<16xf32>
    %add3A_699 = arith.addf %mul3A_621, %mul3A_632 : vector<16xf32>
    %add3A_700 = arith.addf %mul3A_643, %mul3A_654 : vector<16xf32>
    %add3A_701 = arith.addf %mul3A_665, %mul3A_676 : vector<16xf32>
    %add3A_702 = arith.addf %mul3A_687, %mul3A_698 : vector<16xf32>
    %add3A_703 = arith.addf %add3A_699, %add3A_700 : vector<16xf32>
    %add3A_704 = arith.addf %add3A_701, %add3A_702 : vector<16xf32>
    %add3A_705 = arith.addf %add3A_703, %add3A_704 : vector<16xf32>
    %swap3A_706 = arith.constant 6 : i32
    %swap3A_707 = arith.index_cast %swap3A_706 : i32 to index
    %swap3A_708 = arith.constant 0 : index
    %swap3A_709 = tpu.vector_load %arg9[%swap3A_707, %swap3A_708] {strides = array<i32>} : memref<8x16xf32, #tpu.memory_space<vmem>>, vector<1x16xf32>,
    %swap3A_710 = vector.shape_cast %swap3A_709 : vector<1x16xf32> to vector<16xf32>
    %swap3A_711 = vector.shape_cast %add3A_705 : vector<16xf32> to vector<1x16xf32>
    tpu.vector_store %arg9[%swap3A_707, %swap3A_708], %swap3A_711 {strides = array<i32>} : memref<8x16xf32, #tpu.memory_space<vmem>>, vector<1x16xf32>,
    %get3A_712 = arith.constant 7 : i32
    %get3A_713 = arith.index_cast %get3A_712 : i32 to index
    %get3A_714 = arith.constant 0 : index
    %get3A_715 = tpu.vector_load %arg7[%get3A_713, %get3A_714] {strides = array<i32>} : memref<8x128xf32, #tpu.memory_space<vmem>>, vector<1x16xf32>,
    %get3A_716 = vector.shape_cast %get3A_715 : vector<1x16xf32> to vector<16xf32>
    %get3A_717 = arith.constant 7 : i32
    %get3A_718 = arith.index_cast %get3A_717 : i32 to index
    %get3A_719 = arith.constant 0 : index
    %get3A_720 = tpu.vector_load %arg8[%get3A_718, %get3A_719] {strides = array<i32>} : memref<8x128xf32, #tpu.memory_space<vmem>>, vector<1x16xf32>,
    %get3A_721 = vector.shape_cast %get3A_720 : vector<1x16xf32> to vector<16xf32>
    %mul3A_722 = arith.mulf %get3A_716, %get3A_721 : vector<16xf32>
    %get3A_723 = arith.constant 7 : i32
    %get3A_724 = arith.index_cast %get3A_723 : i32 to index
    %get3A_725 = arith.constant 16 : index
    %get3A_726 = tpu.vector_load %arg7[%get3A_724, %get3A_725] {strides = array<i32>} : memref<8x128xf32, #tpu.memory_space<vmem>>, vector<1x16xf32>,
    %get3A_727 = vector.shape_cast %get3A_726 : vector<1x16xf32> to vector<16xf32>
    %get3A_728 = arith.constant 7 : i32
    %get3A_729 = arith.index_cast %get3A_728 : i32 to index
    %get3A_730 = arith.constant 16 : index
    %get3A_731 = tpu.vector_load %arg8[%get3A_729, %get3A_730] {strides = array<i32>} : memref<8x128xf32, #tpu.memory_space<vmem>>, vector<1x16xf32>,
    %get3A_732 = vector.shape_cast %get3A_731 : vector<1x16xf32> to vector<16xf32>
    %mul3A_733 = arith.mulf %get3A_727, %get3A_732 : vector<16xf32>
    %get3A_734 = arith.constant 7 : i32
    %get3A_735 = arith.index_cast %get3A_734 : i32 to index
    %get3A_736 = arith.constant 32 : index
    %get3A_737 = tpu.vector_load %arg7[%get3A_735, %get3A_736] {strides = array<i32>} : memref<8x128xf32, #tpu.memory_space<vmem>>, vector<1x16xf32>,
    %get3A_738 = vector.shape_cast %get3A_737 : vector<1x16xf32> to vector<16xf32>
    %get3A_739 = arith.constant 7 : i32
    %get3A_740 = arith.index_cast %get3A_739 : i32 to index
    %get3A_741 = arith.constant 32 : index
    %get3A_742 = tpu.vector_load %arg8[%get3A_740, %get3A_741] {strides = array<i32>} : memref<8x128xf32, #tpu.memory_space<vmem>>, vector<1x16xf32>,
    %get3A_743 = vector.shape_cast %get3A_742 : vector<1x16xf32> to vector<16xf32>
    %mul3A_744 = arith.mulf %get3A_738, %get3A_743 : vector<16xf32>
    %get3A_745 = arith.constant 7 : i32
    %get3A_746 = arith.index_cast %get3A_745 : i32 to index
    %get3A_747 = arith.constant 48 : index
    %get3A_748 = tpu.vector_load %arg7[%get3A_746, %get3A_747] {strides = array<i32>} : memref<8x128xf32, #tpu.memory_space<vmem>>, vector<1x16xf32>,
    %get3A_749 = vector.shape_cast %get3A_748 : vector<1x16xf32> to vector<16xf32>
    %get3A_750 = arith.constant 7 : i32
    %get3A_751 = arith.index_cast %get3A_750 : i32 to index
    %get3A_752 = arith.constant 48 : index
    %get3A_753 = tpu.vector_load %arg8[%get3A_751, %get3A_752] {strides = array<i32>} : memref<8x128xf32, #tpu.memory_space<vmem>>, vector<1x16xf32>,
    %get3A_754 = vector.shape_cast %get3A_753 : vector<1x16xf32> to vector<16xf32>
    %mul3A_755 = arith.mulf %get3A_749, %get3A_754 : vector<16xf32>
    %get3A_756 = arith.constant 7 : i32
    %get3A_757 = arith.index_cast %get3A_756 : i32 to index
    %get3A_758 = arith.constant 64 : index
    %get3A_759 = tpu.vector_load %arg7[%get3A_757, %get3A_758] {strides = array<i32>} : memref<8x128xf32, #tpu.memory_space<vmem>>, vector<1x16xf32>,
    %get3A_760 = vector.shape_cast %get3A_759 : vector<1x16xf32> to vector<16xf32>
    %get3A_761 = arith.constant 7 : i32
    %get3A_762 = arith.index_cast %get3A_761 : i32 to index
    %get3A_763 = arith.constant 64 : index
    %get3A_764 = tpu.vector_load %arg8[%get3A_762, %get3A_763] {strides = array<i32>} : memref<8x128xf32, #tpu.memory_space<vmem>>, vector<1x16xf32>,
    %get3A_765 = vector.shape_cast %get3A_764 : vector<1x16xf32> to vector<16xf32>
    %mul3A_766 = arith.mulf %get3A_760, %get3A_765 : vector<16xf32>
    %get3A_767 = arith.constant 7 : i32
    %get3A_768 = arith.index_cast %get3A_767 : i32 to index
    %get3A_769 = arith.constant 80 : index
    %get3A_770 = tpu.vector_load %arg7[%get3A_768, %get3A_769] {strides = array<i32>} : memref<8x128xf32, #tpu.memory_space<vmem>>, vector<1x16xf32>,
    %get3A_771 = vector.shape_cast %get3A_770 : vector<1x16xf32> to vector<16xf32>
    %get3A_772 = arith.constant 7 : i32
    %get3A_773 = arith.index_cast %get3A_772 : i32 to index
    %get3A_774 = arith.constant 80 : index
    %get3A_775 = tpu.vector_load %arg8[%get3A_773, %get3A_774] {strides = array<i32>} : memref<8x128xf32, #tpu.memory_space<vmem>>, vector<1x16xf32>,
    %get3A_776 = vector.shape_cast %get3A_775 : vector<1x16xf32> to vector<16xf32>
    %mul3A_777 = arith.mulf %get3A_771, %get3A_776 : vector<16xf32>
    %get3A_778 = arith.constant 7 : i32
    %get3A_779 = arith.index_cast %get3A_778 : i32 to index
    %get3A_780 = arith.constant 96 : index
    %get3A_781 = tpu.vector_load %arg7[%get3A_779, %get3A_780] {strides = array<i32>} : memref<8x128xf32, #tpu.memory_space<vmem>>, vector<1x16xf32>,
    %get3A_782 = vector.shape_cast %get3A_781 : vector<1x16xf32> to vector<16xf32>
    %get3A_783 = arith.constant 7 : i32
    %get3A_784 = arith.index_cast %get3A_783 : i32 to index
    %get3A_785 = arith.constant 96 : index
    %get3A_786 = tpu.vector_load %arg8[%get3A_784, %get3A_785] {strides = array<i32>} : memref<8x128xf32, #tpu.memory_space<vmem>>, vector<1x16xf32>,
    %get3A_787 = vector.shape_cast %get3A_786 : vector<1x16xf32> to vector<16xf32>
    %mul3A_788 = arith.mulf %get3A_782, %get3A_787 : vector<16xf32>
    %get3A_789 = arith.constant 7 : i32
    %get3A_790 = arith.index_cast %get3A_789 : i32 to index
    %get3A_791 = arith.constant 112 : index
    %get3A_792 = tpu.vector_load %arg7[%get3A_790, %get3A_791] {strides = array<i32>} : memref<8x128xf32, #tpu.memory_space<vmem>>, vector<1x16xf32>,
    %get3A_793 = vector.shape_cast %get3A_792 : vector<1x16xf32> to vector<16xf32>
    %get3A_794 = arith.constant 7 : i32
    %get3A_795 = arith.index_cast %get3A_794 : i32 to index
    %get3A_796 = arith.constant 112 : index
    %get3A_797 = tpu.vector_load %arg8[%get3A_795, %get3A_796] {strides = array<i32>} : memref<8x128xf32, #tpu.memory_space<vmem>>, vector<1x16xf32>,
    %get3A_798 = vector.shape_cast %get3A_797 : vector<1x16xf32> to vector<16xf32>
    %mul3A_799 = arith.mulf %get3A_793, %get3A_798 : vector<16xf32>
    %add3A_800 = arith.addf %mul3A_722, %mul3A_733 : vector<16xf32>
    %add3A_801 = arith.addf %mul3A_744, %mul3A_755 : vector<16xf32>
    %add3A_802 = arith.addf %mul3A_766, %mul3A_777 : vector<16xf32>
    %add3A_803 = arith.addf %mul3A_788, %mul3A_799 : vector<16xf32>
    %add3A_804 = arith.addf %add3A_800, %add3A_801 : vector<16xf32>
    %add3A_805 = arith.addf %add3A_802, %add3A_803 : vector<16xf32>
    %add3A_806 = arith.addf %add3A_804, %add3A_805 : vector<16xf32>
    %swap3A_807 = arith.constant 7 : i32
    %swap3A_808 = arith.index_cast %swap3A_807 : i32 to index
    %swap3A_809 = arith.constant 0 : index
    %swap3A_810 = tpu.vector_load %arg9[%swap3A_808, %swap3A_809] {strides = array<i32>} : memref<8x16xf32, #tpu.memory_space<vmem>>, vector<1x16xf32>,
    %swap3A_811 = vector.shape_cast %swap3A_810 : vector<1x16xf32> to vector<16xf32>
    %swap3A_812 = vector.shape_cast %add3A_806 : vector<16xf32> to vector<1x16xf32>
    tpu.vector_store %arg9[%swap3A_808, %swap3A_809], %swap3A_812 {strides = array<i32>} : memref<8x16xf32, #tpu.memory_space<vmem>>, vector<1x16xf32>,
    "tpu.region"() ({
      %run_scoped3A = tpu.sem_alloc : memref<!tpu.dma_semaphore, #tpu.memory_space<semaphore_mem>>
      %dma_start3A_813 = arith.constant 0 : i32
      %dma_start3A_814 = tpu.memref_slice %arg5[%mul3A_2, %dma_start3A_813] : memref<128x16xf32, #tpu.memory_space<hbm>> -> memref<8x16xf32, #tpu.memory_space<hbm>>
      %dma_start3A_815 = arith.constant 0 : i32
      %dma_start3A_816 = tpu.memref_slice %arg5[%mul3A_2, %dma_start3A_815] : memref<128x16xf32, #tpu.memory_space<hbm>> -> memref<8x16xf32, #tpu.memory_space<hbm>>
      tpu.enqueue_dma source(%arg9 : memref<8x16xf32, #tpu.memory_space<vmem>>) target(%dma_start3A_816 : memref<8x16xf32, #tpu.memory_space<hbm>>) target_semaphore(%run_scoped3A : memref<!tpu.dma_semaphore, #tpu.memory_space<semaphore_mem>>)
      %dma_wait3A_817 = arith.constant 0 : i32
      %dma_wait3A_818 = tpu.memref_slice %arg5[%mul3A_2, %dma_wait3A_817] : memref<128x16xf32, #tpu.memory_space<hbm>> -> memref<8x16xf32, #tpu.memory_space<hbm>>
      %dma_wait3A_819 = arith.constant 0 : i32
      %dma_wait3A_820 = tpu.memref_slice %arg5[%mul3A_2, %dma_wait3A_819] : memref<128x16xf32, #tpu.memory_space<hbm>> -> memref<8x16xf32, #tpu.memory_space<hbm>>
      tpu.wait_dma2 semaphore(%run_scoped3A : memref<!tpu.dma_semaphore, #tpu.memory_space<semaphore_mem>>) src(%arg9 : memref<8x16xf32, #tpu.memory_space<vmem>>) dst(%dma_wait3A_820 : memref<8x16xf32, #tpu.memory_space<hbm>>)
      tpu.yield
    }) : () -> ()
    return
  }
}

module attributes {stable_mosaic.version = 14 : i64} {
  func.func @_tc_zbody(%arg0: i32, %arg1: memref<128x128xf32, #tpu.memory_space<vmem>>, %arg2: memref<25000x128xf32, #tpu.memory_space<vmem>>, %arg3: memref<128x1xf32, #tpu.memory_space<vmem>>) attributes {dimension_semantics = [#tpu.dimension_semantics<arbitrary>], iteration_bounds = array<i64: 40>, scalar_prefetch = 0 : i64, scratch_operands = 0 : i64, tpu.core_type = #tpu.core_type<tc>, window_params = [{pipeline_mode = #tpu.pipeline_mode<synchronous>, transform_indices = @transform_0, window_bounds = array<i64: 128, 128>}, {transform_indices = @transform_1, window_bounds = array<i64: 25000, 128>}, {pipeline_mode = #tpu.pipeline_mode<synchronous>, transform_indices = @transform_2, window_bounds = array<i64: 128, 1>}]} {
    %eq3A = arith.constant 0 : i32
    %eq3A_0 = arith.cmpi eq, %arg0, %eq3A : i32
    %convert_element_type3A = arith.extui %eq3A_0 : i1 to i32
    %cond3A = arith.constant 0 : i32
    %cond3A_1 = arith.cmpi ne, %convert_element_type3A, %cond3A : i32
    scf.if %cond3A_1 {
      %broadcast_in_dim3A_16 = arith.constant 0.000000e+00 : f32
      %broadcast_in_dim3A_17 = vector.broadcast %broadcast_in_dim3A_16 : f32 to vector<128x1xf32>
      %swap3A_18 = arith.constant 0 : index
      %swap3A_19 = arith.constant 0 : index
      %swap3A_20 = vector.load %arg3[%swap3A_18, %swap3A_19] : memref<128x1xf32, #tpu.memory_space<vmem>>, vector<128x1xf32>
      tpu.vector_store %arg3[%swap3A_18, %swap3A_19], %broadcast_in_dim3A_17 {strides = array<i32>} : memref<128x1xf32, #tpu.memory_space<vmem>>, vector<128x1xf32>,
    } else {
    }
    %get3A = arith.constant 0 : index
    %get3A_2 = arith.constant 0 : index
    %get3A_3 = vector.load %arg1[%get3A, %get3A_2] : memref<128x128xf32, #tpu.memory_space<vmem>>, vector<128x128xf32>
    %get3A_4 = arith.constant 0 : index
    %get3A_5 = arith.constant 0 : index
    %get3A_6 = vector.load %arg2[%get3A_4, %get3A_5] : memref<25000x128xf32, #tpu.memory_space<vmem>>, vector<25000x128xf32>
    %dot_general3A = arith.constant dense<0.000000e+00> : vector<128x25000xf32>
    %dot_general3A_7 = tpu.matmul %get3A_3, %get3A_6, %dot_general3A {dimension_numbers = #tpu.dot_dimension_numbers<[1], [1], [0], [0], [0, 0, 1, 0], [], []>, transpose_lhs_hint = false} : vector<128x128xf32>, vector<25000x128xf32>, vector<128x25000xf32> -> vector<128x25000xf32>
    %mul3A = arith.constant 1.000000e+01 : f32
    %mul3A_8 = vector.broadcast %mul3A : f32 to vector<128x25000xf32>
    %mul3A_9 = arith.mulf %dot_general3A_7, %mul3A_8 : vector<128x25000xf32>
    %exp3A = math.exp %mul3A_9 : vector<128x25000xf32>
    %get3A_10 = arith.constant 0 : index
    %get3A_11 = arith.constant 0 : index
    %get3A_12 = vector.load %arg3[%get3A_10, %get3A_11] : memref<128x1xf32, #tpu.memory_space<vmem>>, vector<128x1xf32>
    %reduce_sum3A = arith.constant dense<0.000000e+00> : vector<128xf32>
    %reduce_sum3A_13 = vector.multi_reduction <add>, %exp3A, %reduce_sum3A [1] : vector<128x25000xf32> to vector<128xf32>
    %broadcast_in_dim3A = vector.shape_cast %reduce_sum3A_13 : vector<128xf32> to vector<128x1xf32>
    %add3A = arith.addf %get3A_12, %broadcast_in_dim3A : vector<128x1xf32>
    %swap3A = arith.constant 0 : index
    %swap3A_14 = arith.constant 0 : index
    %swap3A_15 = vector.load %arg3[%swap3A, %swap3A_14] : memref<128x1xf32, #tpu.memory_space<vmem>>, vector<128x1xf32>
    tpu.vector_store %arg3[%swap3A, %swap3A_14], %add3A {strides = array<i32>} : memref<128x1xf32, #tpu.memory_space<vmem>>, vector<128x1xf32>,
    return
  }
  func.func @transform_0(%arg0: i32) -> (i32, i32) {
    %c0_i32 = arith.constant 0 : i32
    %c0_i32_0 = arith.constant 0 : i32
    %c0_i32_1 = arith.constant 0 : i32
    return %c0_i32, %c0_i32_0 : i32, i32
  }
  func.func @transform_1(%arg0: i32) -> (i32, i32) {
    %c0_i32 = arith.constant 0 : i32
    %c0_i32_0 = arith.constant 0 : i32
    return %arg0, %c0_i32 : i32, i32
  }
  func.func @transform_2(%arg0: i32) -> (i32, i32) {
    %c0_i32 = arith.constant 0 : i32
    %c0_i32_0 = arith.constant 0 : i32
    %c0_i32_1 = arith.constant 0 : i32
    return %c0_i32, %c0_i32_0 : i32, i32
  }
}

</mosaic_0001>

<sc_bundles>
// kernel: kernel.4.cloned.1.call-start
scs
__scs_entry_jumppad:
0x0: {  	(pc) =	sbr.rel $0x88, $3  }
0x1: {  	(tag) =	ssettag $0x0;
	lr =	simm.s32 $0x1  }
0x2: {  	[smem:$0x3F9E] =	sst lr;
	_ =	strace $0xD0000000  }
0x3: {  	_ = 	snop  }
0x4: {  	_ = 	snop  }
0x5: {  	_ = 	snop  }
0x6: {  	_ = 	snop  }
0x7: {  	_ = 	snop  }
__scs_overlays_trampoline_lowered:
0x8: {  	[smem:$0x3FAD] =	sst s0  }
0x9: {  	[smem:$0x3FAE] =	sst s1  }
0xa: {  	[smem:$0x3FAF] =	sst s2  }
0xb: {  	[smem:$0x3FB0] =	sst s3  }
0xc: {  	[smem:$0x3FB1] =	sst s4  }
0xd: {  	[smem:$0x3FB2] =	sst s5  }
0xe: {  	[smem:$0x3FB3] =	sst s6  }
0xf: {  	[smem:$0x3FB4] =	sst s7  }
0x10: {  	[smem:$0x3FB5] =	sst s8  }
0x11: {  	[smem:$0x3FB6] =	sst s9;
	s0 =	simm.s32 @!p0 $0x0  }
0x12: {  	s1 =	sld [smem:$0x3F9C];
	s0 =	simm.s32 @p0 $0x1  }
0x13: {  	[smem:$0x3FB7] =	sst s0;
	s0 =	simm.s32 @!p1 $0x0  }
0x14: {  	s2 =	sld [smem:$0x3F9B];
	s0 =	simm.s32 @p1 $0x1  }
0x15: {  	[smem:$0x3FB8] =	sst s0;
	s0 =	simm.s32 @!p2 $0x0  }
0x16: {  	s3 =	sld [smem:$0x3FDB];
	s0 =	simm.s32 @p2 $0x1  }
0x17: {  	s4 =	simm.s32 $0x1BF5;
	[smem:$0x3FBA] =	sst s0  }
0x18: {  	s0 =	sld [smem:$0x3F9D];
	_ =	swait.ge [sflag:s4], $0x0  }
0x19: {  	s7 =	sld [smem:$0x3F9E]  }
0x1a: {  	s8 =	sadd.s32 $0xFFFFE003, lr  }
0x1b: {  	s9 =	sadd.s32 $0xFFFFFEF7, lr;
	s5 =	simm.s32 $0xFFFFFFFF;
	p2 =	slt.u32 s8, $0xFFFFF086  }
0x1c: {  	p1 =	slt.u32 s9, $0xF7A;
	s5 =	simm.s32 @!p2 $0x0  }
0x1d: {  	s5 =	simm.s32 @p1 $0x1;
	p0 =	seq.s32 s7, s2  }
0x1e: {  	s7 =	smul.u32 @!p0 $0xF7A, s2;
	p2 =	seq.s32 @!p0 s5, $0x0  }
0x1f: {  	s9 =	smul.u32 $0xF7A, s1;
	s8 =	simm.s32 @!p0 $0x1BF5;
	p2 =	por !p2, p0  }
0x20: {  	[sflag:s8] =	ssyncset.s32 @!p0 $0xFFFFF086;
	s6 =	sadd.s32 @!p0 s3, s7;
	s7 =	simm.s32 @!p0 $0x108  }
0x21: {  	s3 =	sadd.s32 s3, s9;
	s6 =	sadd.s32 @!p0 $0x88, s6;
	s7 =	simm.s32 @p2 $0x1082  }
0x22: {  	[simem:s7], [sflag:s8] =	dma.local @!p0 [hbm:s6], $0xF7A  }
0x23: {  	s9 =	sor.u32 $0xD0000000, s2;
	s6 =	simm.s32 $0x108;
	_ =	swait.ge @!p0 [sflag:s8], $0x0  }
0x24: {  	s3 =	sadd.s32 $0x88, s3;
	s6 =	simm.s32 @!p1 $0x1082;
	[sflag:s4] =	ssyncset.s32 $0xFFFFF086  }
0x25: {  	[simem:s6], [sflag:s4] =	dma.local [hbm:s3], $0xF7A  }
0x26: {  	[smem:$0x3F9E] =	sst s1;
	(tag) =	ssettag s2;
	_ =	strace s9  }
0x27: {  	s1 =	sld [smem:$0x3FAE]  }
0x28: {  	s2 =	sld [smem:$0x3FAF]  }
0x29: {  	s4 =	sld [smem:$0x3FB1]  }
0x2a: {  	p0 =	seq.s32 s5, $0x0;
	s5 =	sld [smem:$0x3FB2]  }
0x2b: {  	s6 =	sld [smem:$0x3FB3]  }
0x2c: {  	s7 =	sld [smem:$0x3FB4]  }
0x2d: {  	s3 =	simm.s32 $0x108;
	s8 =	sld [smem:$0x3FB5]  }
0x2e: {  	s3 =	simm.s32 @!p0 $0x1082;
	s9 =	sld [smem:$0x3FB6]  }
0x2f: {  	lr =	sadd.s32 s0, s3;
	s0 =	sld [smem:$0x3FAD]  }
0x30: {  	s3 =	sld [smem:$0x3FB0]  }
0x31: {  	[smem:$0x3FB9] =	sst s10  }
0x32: {  	s10 =	sld [smem:$0x3FB7];
	_ =	sdelay $0x3  }
0x33: {  	p0 =	seq.s32 s10, $0x1;
	s10 =	sld [smem:$0x3FB9];
	_ =	sdelay $0x3  }
0x34: {  	[smem:$0x3FB9] =	sst s10  }
0x35: {  	s10 =	sld [smem:$0x3FB8];
	_ =	sdelay $0x3  }
0x36: {  	p1 =	seq.s32 s10, $0x1;
	s10 =	sld [smem:$0x3FB9];
	_ =	sdelay $0x3  }
0x37: {  	[smem:$0x3FB9] =	sst s10  }
0x38: {  	s10 =	sld [smem:$0x3FBA]  }
0x39: {  	_ = 	snop;
	(pc) =	sbr.ind lr, $3  }
0x3a: {  	_ = 	snop  }
0x3b: {  	_ = 	snop  }
0x3c: {  	p2 =	seq.s32 s10, $0x1;
	s10 =	sld [smem:$0x3FB9]  }
0x3d: {  	_ =	shalt  }
0x3e: {  	_ =	shalt  }
0x3f: {  	_ =	shalt  }
0x40: {  	_ =	shalt  }
0x41: {  	_ =	shalt  }
0x42: {  	_ =	shalt  }
0x43: {  	_ =	shalt  }
0x44: {  	_ =	shalt  }
0x45: {  	_ =	shalt  }
0x46: {  	_ =	shalt  }
0x47: {  	_ =	shalt  }
0x48: {  	_ =	shalt  }
0x49: {  	_ =	shalt  }
0x4a: {  	_ =	shalt  }
0x4b: {  	_ =	shalt  }
0x4c: {  	_ =	shalt  }
0x4d: {  	_ =	shalt  }
0x4e: {  	_ =	shalt  }
0x4f: {  	_ =	shalt  }
0x50: {  	_ =	shalt  }
0x51: {  	_ =	shalt  }
0x52: {  	_ =	shalt  }
0x53: {  	_ =	shalt  }
0x54: {  	_ =	shalt  }
0x55: {  	_ =	shalt  }
0x56: {  	_ =	shalt  }
0x57: {  	_ =	shalt  }
0x58: {  	_ =	shalt  }
0x59: {  	_ =	shalt  }
0x5a: {  	_ =	shalt  }
0x5b: {  	_ =	shalt  }
0x5c: {  	_ =	shalt  }
0x5d: {  	_ =	shalt  }
0x5e: {  	_ =	shalt  }
0x5f: {  	_ =	shalt  }
0x60: {  	_ =	shalt  }
0x61: {  	_ =	shalt  }
0x62: {  	_ =	shalt  }
0x63: {  	_ =	shalt  }
0x64: {  	_ =	shalt  }
0x65: {  	_ =	shalt  }
0x66: {  	_ =	shalt  }
0x67: {  	_ =	shalt  }
0x68: {  	_ =	shalt  }
0x69: {  	_ =	shalt  }
0x6a: {  	_ =	shalt  }
0x6b: {  	_ =	shalt  }
0x6c: {  	_ =	shalt  }
0x6d: {  	_ =	shalt  }
0x6e: {  	_ =	shalt  }
0x6f: {  	_ =	shalt  }
0x70: {  	_ =	shalt  }
0x71: {  	_ =	shalt  }
0x72: {  	_ =	shalt  }
0x73: {  	_ =	shalt  }
0x74: {  	_ =	shalt  }
0x75: {  	_ =	shalt  }
0x76: {  	_ =	shalt  }
0x77: {  	_ =	shalt  }
0x78: {  	_ =	shalt  }
0x79: {  	_ =	shalt  }
0x7a: {  	_ =	shalt  }
0x7b: {  	_ =	shalt  }
0x7c: {  	_ =	shalt  }
0x7d: {  	_ =	shalt  }
0x7e: {  	_ =	shalt  }
0x7f: {  	_ =	shalt  }
0x80: {  	_ =	shalt  }
0x81: {  	_ =	shalt  }
0x82: {  	_ =	shalt  }
0x83: {  	_ =	shalt  }
0x84: {  	_ =	shalt  }
0x85: {  	_ =	shalt  }
0x86: {  	_ =	shalt  }
0x87: {  	_ =	shalt  }
.Lfunc_end0:
.L_simem_size_0:
called_computation_lowered:
.L_overlay_start_0:
0x88: {  	s0 =	sld [smem:$0x3FD9]  }
0x89: {  	s1 =	sld [smem:$0x3FFE];
	_ =	sdelay $0x3  }
0x8a: {  	s0 =	sadd.s32 s1, s0  }
0x8b: {  	[smem:$0x3FC5] =	sst s0  }
0x8c: {  	_ = 	snop  }
0x8d: {  	s0 =	sld [smem:$0x3FC9]  }
0x8e: {  	s16 =	sld [smem:$0x3FC8]  }
0x8f: {  	s2 =	sld [smem:$0x3FC7];
	(tm) =	ssettm $0x1  }
0x90: {  	s3 =	sld [smem:$0x3FFB];
	_ =	sdelay $0x3  }
0x91: {  	_ =	strace s3  }
0x92: {  	s3 =	sld [smem:$0x3FFC];
	_ =	sdelay $0x3  }
0x93: {  	_ =	strace s3  }
0x94: {  	s3 =	sld [smem:$0x3FFD];
	_ =	sdelay $0x3  }
0x95: {  	_ =	strace s3  }
0x96: {  	_ =	strace $0x8FFFFFFF  }
0x97: {  	s17 =	sld [smem:$0x3FDB];
	_ =	sdelay $0x1  }
0x98: {  	s4 =	simm.s32 $_scs_section_size  }
0x99: {  	s5 =	simm.s32 $_size__tile_overlayer_lowered;
	s6 =	simm.s32 $_tile_overlayer_lowered  }
0x9a: {  	s20 =	simm.s32 $0x1BFF;
	s19 =	sshll.u32 s6, $0x1;
	s3 =	sadd.s32 s4, s17  }
0x9b: {  	s7 =	simm.s32 $0x0;
	s18 =	sshll.u32 s5, $0x1;
	s5 =	sadd.s32 s19, s3  }
0x9c: {  	[timem:s7], [sflag:s20] =	dma.local [hbm:s5], s18  }
0x9d: {  	_ =	swait.ge [sflag:s20], s18  }
0x9e: {  	s4 =	ssub.s32 $0x0, s18;
	[sflag:s20] =	ssyncset.done $0x0  }
0x9f: {  	[sflag:s20] =	ssyncadd.s32 s4;
	_ =	sdelay $0x1  }
0xa0: {  	s21 =	simm.s32 $0x1B8B  }
0xa1: {  	_ =	swait.ge [sflag:s21], $0x1  }
0xa2: {  	[sflag:s21] =	ssyncset.done $0x0  }
0xa3: {  	s23 =	simm.s32 $0x1B8E;
	s22 =	sld [smem:$0x3FFE];
	[sflag:s21] =	ssyncadd.s32 $0xFFFFFFFF  }
0xa4: {  	s24 =	simm.s32 $execute0_lowered;
	[smem:$0x3FD2] =	sst s23  }
0xa5: {  	s5 =	sshll.u32 s24, $0x1;
	_ =	strace $0x80000046;
	[dreg:$0x1] =	wrdreg $0xFFFFFFFF  }
0xa6: {  	s25 =	simm.s32 $_size_execute0_lowered;
	s3 =	sadd.s32 s3, s5;
	[dreg:$0x0] =	wrdreg $0x0  }
0xa7: {  	s5 =	sshll.u32 s25, $0x1;
	[dreg:$0x2] =	wrdreg s3  }
0xa8: {  	[dreg:$0x3] =	wrdreg s5  }
0xa9: {  	[dreg:$0x4] =	wrdreg $0xC0  }
0xaa: {  	_ =	task [dreg:s7], $0x5FFFF  }
0xab: {  	[dreg:$0x1] =	wrdreg $0xFFFFFFFF  }
0xac: {  	[dreg:$0x0] =	wrdreg $0x60  }
0xad: {  	[dreg:$0x2] =	wrdreg s2  }
0xae: {  	[dreg:$0x3] =	wrdreg s0  }
0xaf: {  	[dreg:$0x4] =	wrdreg s16  }
0xb0: {  	[dreg:$0x5] =	wrdreg s22  }
0xb1: {  	[dreg:$0x6] =	wrdreg $0x9  }
0xb2: {  	_ =	task.clear_ibuf [dreg:s7], $0x7FFFF;
	_ =	strace $0x90000046  }
0xb3: {  	s26 =	simm.s32 $0x9;
	_ =	strace $0x80000048  }
0xb4: {  	_ =	swait.ge [sflag:s26], $0x1  }
0xb5: {  	[sflag:s26] =	ssyncadd.s32 $0xFFFFFFFF  }
0xb6: {  	_ =	strace $0x90000048  }
0xb7: {  	_ =	sfence  }
0xb8: {  	s28 =	sld [smem:$0x0];
	_ =	sdelay $0x1  }
0xb9: {  	s29 =	srdreg.scid  }
0xba: {  	s30 =	sshll.u32 s29, $0xD;
	s31 =	sshrl.u32 s29, $0x2  }
0xbb: {  	s1 =	sand.u32 $0x1, s29;
	s2 =	sand.u32 $0x4000, s30;
	s0 =	sadd.s32 s31, s28  }
0xbc: {  	s1 =	sor.u32 s2, s1;
	s0 =	sshll.u32 s0, $0x11  }
0xbd: {  	s0 =	sor.u32 s0, s1  }
0xbe: {  	s0 =	sadd.s32 $0x8F2B, s0  }
0xbf: {  	[sflag:s0] =	ssyncadd.remote.s32 $0x1  }
0xc0: {  	_ =	sfence.sel $0xFFFF  }
0xc1: {  	[dreg:$0x0] =	wrdreg $0xFFFFFFFF;
	(pc) =	sbr.abs _section_cstart, $3  }
0xc2: {  	[dreg:$0x1] =	wrdreg $0xFFFFFFFF  }
0xc3: {  	_ =	task.clear_ibuf [dreg:s7], $0x2FFFF;
	_ =	strace $0x9FFFFFFF  }
0xc4: {  	(tm) =	ssettm $0x7FFFFFFF  }
0xc5: {  	_ =	shalt  }
tec
execute0_lowered:
.L_overlay_start_1:
0x0: {  	(tag) =	ssettag $0x1  }
0x1: {  	s6 =	rddreg [dreg:$0x0]  }
0x2: {  	s7 =	rddreg [dreg:$0x1]  }
0x3: {  	s4 =	rddreg [dreg:$0x2]  }
0x4: {  	s3 =	rddreg [dreg:$0x3]  }
0x5: {  	s0 =	rddreg [dreg:$0x4];
	s2 =	simm.s32 $0x0  }
0x6: {  	s1 =	stileid.u32;
	[smem:$0x7FF] =	sst s2  }
0x7: {  	s26 =	simm.s32 $0x2;
	s4 =	sadd.s32 s4, s1;
	_ =	strace $0x80000047  }
0x8: {  	[tilespmem:s2], [sflag:$0x2] =	stream.linear.gather [hbm4b:s4+s2], $0x8, $0x38;
	[tilespmem:$0xC80] =	vst v63  }
0x9: {  	_ =	swait.ge [sflag:s26], $0x8  }
0xa: {  	s5 =	sshll.u32 s1, $0x7;
	[sflag:s26] =	ssyncset.done $0x0  }
0xb: {  	s8 =	simm.s32 $0x480;
	s7 =	sadd.s32 s7, s5;
	[sflag:s26] =	ssyncadd.s32 $0xFFFFFFF8  }
0xc: {  	[tilespmem:s8], [sflag:$0x2] =	stream.linear.gather [hbm4b:s7+s2], $0x400, $0x38;
	[tilespmem:$0xC80] =	vst v63  }
0xd: {  	_ =	swait.ge [sflag:s26], $0x400  }
0xe: {  	s28 =	simm.s32 $0x8;
	[sflag:s26] =	ssyncset.done $0x0  }
0xf: {  	s29 =	simm.s32 $0x80;
	s30 =	simm.s32 $0x1;
	[sflag:s26] =	ssyncadd.s32 $0xFFFFFC00  }
0x10: {  	[tilespmem:s29], [sflag:$0x1] =	stream.indirect.gather [hbm4b:s6+s28], $0x80, s2, s28, $0xb8;
	[tilespmem:$0xC80] =	vst v63  }
0x11: {  	_ =	swait.ge [sflag:s30], $0x400  }
0x12: {  	[sflag:s30] =	ssyncset.done $0x0  }
0x13: {  	[sflag:s30] =	ssyncadd.s32 $0xFFFFFC00  }
0x14: {  	v32 =	vld [tilespmem:$0x180];
	_ =	sdelay $0x4  }
0x15: {  	[tilespmem:$0x1FE20] =	vst v32;
	v32 =	vld [tilespmem:$0x280];
	_ =	sdelay $0x4  }
0x16: {  	[tilespmem:$0x1FE30] =	vst v32;
	v32 =	vld [tilespmem:$0x680];
	_ =	sdelay $0x4  }
0x17: {  	[tilespmem:$0x1FE40] =	vst v32;
	v32 =	vld [tilespmem:$0x290];
	_ =	sdelay $0x4  }
0x18: {  	[tilespmem:$0x1FE50] =	vst v32;
	v32 =	vld [tilespmem:$0x690];
	_ =	sdelay $0x4  }
0x19: {  	[tilespmem:$0x1FE60] =	vst v32;
	v32 =	vld [tilespmem:$0x2A0];
	_ =	sdelay $0x4  }
0x1a: {  	[tilespmem:$0x1FE70] =	vst v32;
	v32 =	vld [tilespmem:$0x6A0];
	_ =	sdelay $0x4  }
0x1b: {  	[tilespmem:$0x1FE80] =	vst v32;
	v32 =	vld [tilespmem:$0x2B0];
	_ =	sdelay $0x3  }
0x1c: {  	v0 =	vld [tilespmem:$0x80]  }
0x1d: {  	[tilespmem:$0x1FE90] =	vst v32;
	v32 =	vld [tilespmem:$0x6B0]  }
0x1e: {  	v1 =	vld [tilespmem:$0x480]  }
0x1f: {  	v2 =	vld [tilespmem:$0x90]  }
0x20: {  	v3 =	vld [tilespmem:$0x490]  }
0x21: {  	v4 =	vld [tilespmem:$0xA0]  }
0x22: {  	[tilespmem:$0x1FEA0] =	vst v32;
	v32 =	vld [tilespmem:$0x2C0]  }
0x23: {  	v5 =	vld [tilespmem:$0x4A0]  }
0x24: {  	v6 =	vld [tilespmem:$0xB0]  }
0x25: {  	v7 =	vld [tilespmem:$0x4B0]  }
0x26: {  	v8 =	vld [tilespmem:$0xC0]  }
0x27: {  	[tilespmem:$0x1FEB0] =	vst v32;
	v32 =	vld [tilespmem:$0x6C0]  }
0x28: {  	v9 =	vld [tilespmem:$0x4C0]  }
0x29: {  	v10 =	vld [tilespmem:$0xD0]  }
0x2a: {  	v11 =	vld [tilespmem:$0x4D0]  }
0x2b: {  	v12 =	vld [tilespmem:$0xE0]  }
0x2c: {  	[tilespmem:$0x1FEC0] =	vst v32;
	v32 =	vld [tilespmem:$0x2D0]  }
0x2d: {  	v13 =	vld [tilespmem:$0x4E0]  }
0x2e: {  	v14 =	vld [tilespmem:$0xF0]  }
0x2f: {  	v15 =	vld [tilespmem:$0x4F0]  }
0x30: {  	v16 =	vld [tilespmem:$0x100]  }
0x31: {  	[tilespmem:$0x1FED0] =	vst v32;
	v32 =	vld [tilespmem:$0x6D0]  }
0x32: {  	v17 =	vld [tilespmem:$0x500]  }
0x33: {  	v18 =	vld [tilespmem:$0x110]  }
0x34: {  	v19 =	vld [tilespmem:$0x510]  }
0x35: {  	v20 =	vld [tilespmem:$0x120]  }
0x36: {  	[tilespmem:$0x1FEE0] =	vst v32;
	v32 =	vld [tilespmem:$0x2E0]  }
0x37: {  	v21 =	vld [tilespmem:$0x520]  }
0x38: {  	v22 =	vld [tilespmem:$0x130]  }
0x39: {  	v23 =	vld [tilespmem:$0x530]  }
0x3a: {  	v24 =	vld [tilespmem:$0x140]  }
0x3b: {  	[tilespmem:$0x1FEF0] =	vst v32;
	v32 =	vld [tilespmem:$0x6E0]  }
0x3c: {  	v25 =	vld [tilespmem:$0x540]  }
0x3d: {  	v26 =	vld [tilespmem:$0x150]  }
0x3e: {  	v27 =	vld [tilespmem:$0x550]  }
0x3f: {  	v28 =	vld [tilespmem:$0x160]  }
0x40: {  	[tilespmem:$0x1FF00] =	vst v32;
	v32 =	vld [tilespmem:$0x2F0]  }
0x41: {  	v29 =	vld [tilespmem:$0x560]  }
0x42: {  	v30 =	vld [tilespmem:$0x170]  }
0x43: {  	v31 =	vld [tilespmem:$0x570]  }
0x44: {  	v33 =	vld [tilespmem:$0x580]  }
0x45: {  	[tilespmem:$0x1FF10] =	vst v32;
	v32 =	vld [tilespmem:$0x6F0]  }
0x46: {  	v34 =	vld [tilespmem:$0x190]  }
0x47: {  	v35 =	vld [tilespmem:$0x590]  }
0x48: {  	v36 =	vld [tilespmem:$0x1A0]  }
0x49: {  	v37 =	vld [tilespmem:$0x5A0]  }
0x4a: {  	[tilespmem:$0x1FF20] =	vst v32;
	v32 =	vld [tilespmem:$0x300]  }
0x4b: {  	v38 =	vld [tilespmem:$0x1B0]  }
0x4c: {  	v39 =	vld [tilespmem:$0x5B0]  }
0x4d: {  	v40 =	vld [tilespmem:$0x1C0]  }
0x4e: {  	v41 =	vld [tilespmem:$0x5C0]  }
0x4f: {  	[tilespmem:$0x1FF30] =	vst v32;
	v32 =	vld [tilespmem:$0x700]  }
0x50: {  	v42 =	vld [tilespmem:$0x1D0]  }
0x51: {  	v43 =	vld [tilespmem:$0x5D0]  }
0x52: {  	v44 =	vld [tilespmem:$0x1E0]  }
0x53: {  	v45 =	vld [tilespmem:$0x5E0]  }
0x54: {  	[tilespmem:$0x1FF40] =	vst v32;
	v32 =	vld [tilespmem:$0x310]  }
0x55: {  	v46 =	vld [tilespmem:$0x1F0]  }
0x56: {  	v47 =	vld [tilespmem:$0x5F0]  }
0x57: {  	v48 =	vld [tilespmem:$0x200]  }
0x58: {  	v49 =	vld [tilespmem:$0x600]  }
0x59: {  	[tilespmem:$0x1FF50] =	vst v32;
	v32 =	vld [tilespmem:$0x710]  }
0x5a: {  	v50 =	vld [tilespmem:$0x210]  }
0x5b: {  	v51 =	vld [tilespmem:$0x610]  }
0x5c: {  	v52 =	vld [tilespmem:$0x220]  }
0x5d: {  	v53 =	vld [tilespmem:$0x620]  }
0x5e: {  	[tilespmem:$0x1FF60] =	vst v32;
	v32 =	vld [tilespmem:$0x320]  }
0x5f: {  	v54 =	vld [tilespmem:$0x230]  }
0x60: {  	v55 =	vld [tilespmem:$0x630]  }
0x61: {  	v56 =	vld [tilespmem:$0x240]  }
0x62: {  	v57 =	vld [tilespmem:$0x640]  }
0x63: {  	[tilespmem:$0x1FF70] =	vst v32;
	v32 =	vld [tilespmem:$0x720]  }
0x64: {  	v58 =	vld [tilespmem:$0x250]  }
0x65: {  	v59 =	vld [tilespmem:$0x650]  }
0x66: {  	v60 =	vld [tilespmem:$0x260]  }
0x67: {  	v61 =	vld [tilespmem:$0x660]  }
0x68: {  	[tilespmem:$0x1FF80] =	vst v32;
	v32 =	vld [tilespmem:$0x330]  }
0x69: {  	v62 =	vld [tilespmem:$0x270]  }
0x6a: {  	v63 =	vld [tilespmem:$0x670]  }
0x6b: {  	v0 =	vmul.f32 v1, v0;
	v1 =	vmul.f32 v3, v2;
	v2 =	vld [tilespmem:$0x760]  }
0x6c: {  	v3 =	vmul.f32 v5, v4;
	v5 =	vld [tilespmem:$0x370]  }
0x6d: {  	[tilespmem:$0x1FF90] =	vst v32;
	v32 =	vld [tilespmem:$0x730]  }
0x6e: {  	v4 =	vmul.f32 v17, v16;
	v16 =	vld [tilespmem:$0x790]  }
0x6f: {  	v25 =	vmul.f32 v25, v24;
	v24 =	vld [tilespmem:$0x400]  }
0x70: {  	v27 =	vmul.f32 v27, v26;
	v26 =	vld [tilespmem:$0x800]  }
0x71: {  	v31 =	vmul.f32 v31, v30;
	v30 =	vld [tilespmem:$0x810]  }
0x72: {  	[tilespmem:$0x1FFA0] =	vst v32;
	v32 =	vld [tilespmem:$0x340]  }
0x73: {  	v0 =	vadd.f32 v1, v0;
	v1 =	vld [tilespmem:$0x380]  }
0x74: {  	v37 =	vmul.f32 v37, v36;
	v36 =	vld [tilespmem:$0x1FE30]  }
0x75: {  	v39 =	vmul.f32 v39, v38;
	v38 =	vld [tilespmem:$0x1FE50]  }
0x76: {  	v41 =	vmul.f32 v41, v40;
	v40 =	vld [tilespmem:$0x1FE70]  }
0x77: {  	v43 =	vmul.f32 v43, v42;
	[tilespmem:$0x1FFB0] =	vst v32;
	v32 =	vld [tilespmem:$0x740]  }
0x78: {  	v45 =	vmul.f32 v45, v44;
	v47 =	vmul.f32 v47, v46;
	v42 =	vld [tilespmem:$0x1FE90]  }
0x79: {  	v44 =	vld [tilespmem:$0x1FEB0]  }
0x7a: {  	v23 =	vmul.f32 v23, v22;
	v22 =	vadd.f32 v47, v45;
	v45 =	vld [tilespmem:$0x1FEC0]  }
0x7b: {  	v46 =	vld [tilespmem:$0x1FED0]  }
0x7c: {  	[tilespmem:$0x1FFC0] =	vst v32;
	v32 =	vld [tilespmem:$0x350]  }
0x7d: {  	v49 =	vmul.f32 v49, v48;
	v51 =	vmul.f32 v51, v50;
	v47 =	vld [tilespmem:$0x1FEE0]  }
0x7e: {  	v48 =	vld [tilespmem:$0x1FEF0]  }
0x7f: {  	v17 =	vadd.f32 v51, v49;
	v49 =	vld [tilespmem:$0x1FF00]  }
0x80: {  	v50 =	vld [tilespmem:$0x1FF10]  }
0x81: {  	[tilespmem:$0x1FFD0] =	vst v32;
	v32 =	vld [tilespmem:$0x750]  }
0x82: {  	v53 =	vmul.f32 v53, v52;
	v55 =	vmul.f32 v55, v54;
	v51 =	vld [tilespmem:$0x1FF20]  }
0x83: {  	v52 =	vld [tilespmem:$0x1FF30]  }
0x84: {  	v21 =	vmul.f32 v21, v20;
	v20 =	vadd.f32 v55, v53;
	v53 =	vld [tilespmem:$0x1FF40]  }
0x85: {  	v54 =	vld [tilespmem:$0x1FF50]  }
0x86: {  	[tilespmem:$0x1FFE0] =	vst v32;
	v32 =	vld [tilespmem:$0x360]  }
0x87: {  	v55 =	vld [tilespmem:$0x1FF60]  }
0x88: {  	v57 =	vmul.f32 v57, v56;
	v56 =	vld [tilespmem:$0x1FF70]  }
0x89: {  	v35 =	vmul.f32 v35, v34;
	v34 =	vmul.f32 v61, v60;
	v60 =	vld [tilespmem:$0x1FFB0]  }
0x8a: {  	v61 =	vld [tilespmem:$0x1FFC0]  }
0x8b: {  	[tilespmem:$0x1FFF0] =	vst v32;
	v32 =	vmul.f32 v7, v6;
	v6 =	vmul.f32 v9, v8;
	v8 =	vld [tilespmem:$0x770]  }
0x8c: {  	v9 =	vmul.f32 v13, v12;
	v12 =	vld [tilespmem:$0x780]  }
0x8d: {  	v7 =	vmul.f32 v11, v10;
	v10 =	vmul.f32 v15, v14;
	v14 =	vld [tilespmem:$0x390]  }
0x8e: {  	v11 =	vld [tilespmem:$0x7A0]  }
0x8f: {  	v13 =	vld [tilespmem:$0x3B0]  }
0x90: {  	v15 =	vld [tilespmem:$0x3C0]  }
0x91: {  	v3 =	vadd.f32 v32, v3;
	v32 =	vmul.f32 v19, v18;
	v18 =	vld [tilespmem:$0x3A0]  }
0x92: {  	v19 =	vld [tilespmem:$0x7C0]  }
0x93: {  	v6 =	vadd.f32 v7, v6;
	v7 =	vadd.f32 v23, v21;
	v21 =	vld [tilespmem:$0x3D0]  }
0x94: {  	v9 =	vadd.f32 v10, v9;
	v10 =	vadd.f32 v27, v25;
	v25 =	vld [tilespmem:$0x3E0]  }
0x95: {  	v29 =	vmul.f32 v29, v28;
	v27 =	vld [tilespmem:$0x7E0]  }
0x96: {  	v4 =	vadd.f32 v32, v4;
	v32 =	vld [tilespmem:$0x1FE20]  }
0x97: {  	v0 =	vadd.f32 v3, v0;
	v3 =	vadd.f32 v31, v29;
	v29 =	vld [tilespmem:$0x3F0]  }
0x98: {  	v31 =	vld [tilespmem:$0x7F0]  }
0x99: {  	v6 =	vadd.f32 v9, v6;
	v4 =	vadd.f32 v7, v4;
	v7 =	vld [tilespmem:$0x7B0]  }
0x9a: {  	v3 =	vadd.f32 v3, v10;
	v10 =	vld [tilespmem:$0x7D0]  }
0x9b: {  	v0 =	vadd.f32 v6, v0;
	v6 =	vadd.f32 v39, v37;
	v37 =	vld [tilespmem:$0x1FE40]  }
0x9c: {  	v39 =	vld [tilespmem:$0x1FE60]  }
0x9d: {  	v3 =	vadd.f32 v3, v4;
	v4 =	vadd.f32 v43, v41;
	v41 =	vld [tilespmem:$0x1FE80]  }
0x9e: {  	v43 =	vld [tilespmem:$0x1FEA0]  }
0x9f: {  	v9 =	vmul.f32 v33, v32;
	v33 =	vmul.f32 v59, v58;
	v58 =	vld [tilespmem:$0x1FF90]  }
0xa0: {  	v59 =	vld [tilespmem:$0x1FFA0]  }
0xa1: {  	v32 =	vmul.f32 v45, v44;
	v44 =	vld [tilespmem:$0x840]  }
0xa2: {  	v17 =	vadd.f32 v20, v17;
	v45 =	vld [tilespmem:$0x1FFF0]  }
0xa3: {  	v5 =	vmul.f32 v8, v5;
	v1 =	vmul.f32 v12, v1;
	v4 =	vadd.f32 v22, v4;
	v22 =	vld [tilespmem:$0x410]  }
0xa4: {  	v11 =	vmul.f32 v11, v18;
	v15 =	vmul.f32 v19, v15;
	v23 =	vadd.f32 v33, v57;
	v33 =	vld [tilespmem:$0x420]  }
0xa5: {  	v9 =	vadd.f32 v35, v9;
	v35 =	vmul.f32 v63, v62;
	v20 =	vmul.f32 v37, v36;
	v37 =	vld [tilespmem:$0x830]  }
0xa6: {  	v36 =	vmul.f32 v51, v50;
	v57 =	vld [tilespmem:$0x1FF80];
	v50 =	vmul.f32 v16, v14  }
0xa7: {  	v62 =	vld [tilespmem:$0x1FFD0];
	v7 =	vmul.f32 v7, v13;
	v10 =	vmul.f32 v10, v21  }
0xa8: {  	v63 =	vld [tilespmem:$0x1FFE0];
	v6 =	vadd.f32 v6, v9;
	v9 =	vadd.f32 v35, v34;
	v28 =	vmul.f32 v41, v40  }
0xa9: {  	v51 =	vld [tilespmem:$0x860];
	v34 =	vmul.f32 v49, v48;
	v1 =	vadd.f32 v50, v1;
	v7 =	vadd.f32 v7, v11  }
0xaa: {  	v35 =	vld [tilespmem:$0x820];
	v10 =	vadd.f32 v10, v15;
	v2 =	vmul.f32 v2, v45;
	v9 =	vadd.f32 v9, v23  }
0xab: {  	v48 =	vld [tilespmem:$0x850];
	v23 =	vmul.f32 v39, v38;
	v4 =	vadd.f32 v4, v6;
	v6 =	vmul.f32 v43, v42  }
0xac: {  	v49 =	vld [tilespmem:$0x460];
	v34 =	vadd.f32 v36, v34;
	v38 =	vmul.f32 v59, v58;
	v1 =	vadd.f32 v7, v1  }
0xad: {  	v39 =	vld [tilespmem:$0x440];
	v36 =	vmul.f32 v57, v56;
	v40 =	vmul.f32 v63, v62;
	v2 =	vadd.f32 v5, v2  }
0xae: {  	v56 =	vmul.f32 v26, v24;
	v57 =	vmul.f32 v30, v22;
	v20 =	vadd.f32 v23, v20;
	v23 =	vld [tilespmem:$0x430]  }
0xaf: {  	v9 =	vadd.f32 v9, v17;
	v17 =	vmul.f32 v47, v46;
	v6 =	vadd.f32 v6, v28;
	v46 =	vld [tilespmem:$0x450]  }
0xb0: {  	v28 =	vmul.f32 v53, v52;
	v52 =	vld [tilespmem:$0x470];
	v47 =	vadd.f32 v38, v36;
	v58 =	vmul.f32 v35, v33  }
0xb1: {  	v53 =	vld [tilespmem:$0x870];
	v5 =	vmul.f32 v51, v49;
	v17 =	vadd.f32 v17, v32;
	v32 =	vmul.f32 v55, v54  }
0xb2: {  	v6 =	vadd.f32 v6, v20;
	v20 =	vmul.f32 v61, v60;
	v54 =	vmul.f32 v27, v25  }
0xb3: {  	v55 =	vmul.f32 v31, v29;
	v61 =	vadd.f32 v57, v56;
	v28 =	vadd.f32 v32, v28  }
0xb4: {  	v60 =	vmul.f32 v44, v39;
	v17 =	vadd.f32 v34, v17;
	v20 =	vadd.f32 v40, v20  }
0xb5: {  	v59 =	vmul.f32 v37, v23;
	v8 =	vmul.f32 v48, v46;
	v28 =	vadd.f32 v47, v28  }
0xb6: {  	v13 =	vmul.f32 v53, v52;
	v2 =	vadd.f32 v2, v20;
	v6 =	vadd.f32 v17, v6  }
0xb7: {  	[tilespmem:$0x880] =	vst v0;
	v17 =	vadd.f32 v55, v54;
	v11 =	vadd.f32 v59, v58  }
0xb8: {  	[tilespmem:$0x900] =	vst v3;
	v62 =	vadd.f32 v8, v60;
	v5 =	vadd.f32 v13, v5  }
0xb9: {  	[tilespmem:$0x980] =	vst v4;
	v2 =	vadd.f32 v2, v28;
	v63 =	vadd.f32 v17, v10  }
0xba: {  	[tilespmem:$0xA00] =	vst v9;
	v0 =	vadd.f32 v11, v61;
	v3 =	vadd.f32 v5, v62  }
0xbb: {  	[tilespmem:$0xA80] =	vst v6;
	v1 =	vadd.f32 v63, v1  }
0xbc: {  	[tilespmem:$0xB00] =	vst v2;
	v0 =	vadd.f32 v3, v0  }
0xbd: {  	[tilespmem:$0xB80] =	vst v1  }
0xbe: {  	s31 =	simm.s32 $0x880;
	s3 =	sadd.s32 s3, s5;
	[tilespmem:$0xC00] =	vst v0  }
0xbf: {  	[hbm4b:s3+s2] =	stream.linear.scatter [tilespmem:s31], [sflag:$0x2], $0x400, $0x38;
	[tilespmem:$0xC80] =	vst v63  }
0xc0: {  	_ =	swait.ge [sflag:s26], $0x400  }
0xc1: {  	[sflag:s26] =	ssyncset.done $0x0  }
0xc2: {  	[sflag:s26] =	ssyncadd.s32 $0xFFFFFC00  }
0xc3: {  	_ =	sfence.sel $0x180000  }
0xc4: {  	[bflag:$0x0] =	sbarrier.arrive $0xFFFF  }
0xc5: {  	p0 =	sne.s32 s1, $0x0;
	_ =	strace $0x90000047  }
0xc6: {  	s0 =	sadd.s32 @!p0 $0x100000, s0;
	[bflag:$0x2] =	sbarrier.arrive $0xFFFF  }
0xc7: {  	[sflag:s0] =	ssyncadd.tile.s32 @!p0 $0x1;
	_ =	shalt  }
.Lfunc_end2:
_tile_overlayer_lowered:
.L_overlay_start_2:
0xc8: {  	(tag) =	ssettag $0x2  }
0xc9: {  	s0 =	rddreg [dreg:$0x0];
	s2 =	stileid.u32  }
0xca: {  	s1 =	rddreg [dreg:$0x1];
	p0 =	sne.s32 s2, $0x0  }
0xcb: {  	s3 =	rddreg [dreg:$0x2];
	[bflag:$0x3] =	sbarrier.arrive $0xFFFF;
	s2 =	simm.s32 @!p0 $0x1C02  }
0xcc: {  	[timem:s3], [sflag:s2] =	dma.local @!p0 [hbm:s0], s1  }
0xcd: {  	s0 =	simm.s32 @!p0 $0x2  }
0xce: {  	_ =	swait.ge @!p0 [sflag:s0], s1  }
0xcf: {  	s1 =	ssub.s32 @!p0 $0x0, s1;
	[sflag:s0] =	ssyncset.done @!p0 $0x0  }
0xd0: {  	[sflag:s0] =	ssyncadd.s32 @!p0 s1  }
0xd1: {  	[bflag:$0x3] =	sbarrier.arrive $0xFFFF  }
0xd2: {  	_ =	shalt  }

</sc_bundles>
